<compile_context>
chip_gen: v7x
topology: tpu7x:2x2x1
jax: 0.10.2.dev20260603
libtpu: 0.0.44.dev20260713+nightly
codegen_flags: <defaults>
</compile_context>

<pallas_src>
import functools

import jax
import jax.numpy as jnp
from jax import lax
from jax.experimental import pallas as pl
from jax.experimental.pallas import tpu as pltpu
from jax.experimental.pallas import tpu_sc as plsc

B, C, L = 256, 64, 512
E = 16
NPAT = 1000000
HB = 32

NC, NS = 2, 16
NW = NC * NS
ROWS = B * L
RPW = ROWS // NW
CHUNK = 128
NCHUNK = RPW // CHUNK
GROUP = 8


def _shift3(y, d):
    if d < 0:
        return jnp.concatenate([y[:, :, :1]] * (-d) + [y[:, :, :L + d]], axis=2)
    if d > 0:
        return jnp.concatenate([y[:, :, d:]] + [y[:, :, L - 1:]] * d, axis=2)
    return y


def _hash_body(x_ref, out_ref):
    y = x_ref[...] * 31.0
    p = jnp.zeros((HB, 8, L), jnp.float32)
    for k in range(8):
        yk = y[:, 8 * k:8 * k + 8, :]
        for d in (-2, -1, 0, 1):
            p = p + _shift3(yk, d)
    q = p[:, 0:4, :] + p[:, 4:8, :]
    r = q[:, 0:2, :] + q[:, 2:4, :]
    h = r[:, 0:1, :] + r[:, 1:2, :]
    hi = h[:, 0, :].astype(jnp.int32)
    m = lax.rem(hi, jnp.int32(NPAT))
    m = jnp.where(m < 0, m + NPAT, m)
    out_ref[...] = ((m >> 10) << 10) + ((m & 127) << 3) + ((m >> 7) & 7)


def _tc_hash(x):
    return pl.pallas_call(
        _hash_body,
        grid=(B // HB,),
        in_specs=[pl.BlockSpec((HB, C, L), lambda i: (i, 0, 0))],
        out_specs=pl.BlockSpec((HB, L), lambda i: (i, 0)),
        out_shape=jax.ShapeDtypeStruct((B, L), jnp.int32),
    )(x)


RBLK = 32768
RGRID = -(-NPAT // RBLK)
NSLOT = RGRID * RBLK // 8


def _repack_body(tt_ref, out_ref):
    blk = tt_ref[...]
    for g8 in range(RBLK // 1024):
        base = 1024 * g8
        stacked = jnp.concatenate(
            [blk[:, base + 128 * a:base + 128 * (a + 1)] for a in range(8)],
            axis=0)
        out_ref[128 * g8:128 * (g8 + 1), :] = jnp.transpose(stacked, (1, 0))


def _tc_repack(tableT):
    return pl.pallas_call(
        _repack_body,
        grid=(RGRID,),
        in_specs=[pl.BlockSpec((E, RBLK), lambda i: (0, i))],
        out_specs=pl.BlockSpec((RBLK // 8, 128), lambda i: (i, 0)),
        out_shape=jax.ShapeDtypeStruct((NSLOT, 128), jnp.float32),
    )(tableT)


def _sc_gather(table, idx3):
    mesh = plsc.VectorSubcoreMesh(core_axis_name="c", subcore_axis_name="s")

    @functools.partial(
        pl.kernel,
        out_type=jax.ShapeDtypeStruct((ROWS, E), jnp.float32),
        mesh=mesh,
        scratch_types=[
            pltpu.VMEM((NCHUNK, CHUNK), jnp.int32),
            pltpu.VMEM((RPW, E), jnp.float32),
            pltpu.SemaphoreType.DMA,
        ],
        compiler_params=pltpu.CompilerParams(use_tc_tiling_on_sc=False),
    )
    def gather_k(table_hbm, idx_hbm, out_hbm, idx_v, rows_v, sem):
        wid = lax.axis_index("s") * NC + lax.axis_index("c")
        pltpu.sync_copy(idx_hbm.at[wid], idx_v)

        def group_body(g, _):
            base_c = g * GROUP
            copies = []
            for k in range(GROUP):
                c = base_c + k
                cp = pltpu.make_async_copy(
                    table_hbm.at[idx_v.at[c]],
                    rows_v.at[pl.ds(c * CHUNK, CHUNK), :],
                    sem,
                )
                cp.start()
                copies.append(cp)
            for cp in copies:
                cp.wait()
            return 0

        lax.fori_loop(0, NCHUNK // GROUP, group_body, 0, unroll=False)
        pltpu.sync_copy(rows_v, out_hbm.at[pl.ds(wid * RPW, RPW), :])

    return gather_k(table, idx3)


PB = 8


def _proj_body(emb_ref, w_ref, b_ref, out_ref):
    t = jnp.transpose(emb_ref[...], (1, 0))
    for m in range(PB):
        x = jnp.concatenate(
            [t[16 * k:16 * k + 16, 64 * m:64 * m + 64] for k in range(8)],
            axis=1)
        r = lax.dot_general(w_ref[...], x, (((1,), (0,)), ((), ())),
                            preferred_element_type=jnp.float32)
        out_ref[m] = r + b_ref[...]


def _tc_project(emb2, W, b):
    return pl.pallas_call(
        _proj_body,
        grid=(B // PB,),
        in_specs=[
            pl.BlockSpec((PB * C, 128), lambda i: (i, 0)),
            pl.BlockSpec((C, E), lambda i: (0, 0)),
            pl.BlockSpec((C, 1), lambda i: (0, 0)),
        ],
        out_specs=pl.BlockSpec((PB, C, L), lambda i: (i, 0, 0)),
        out_shape=jax.ShapeDtypeStruct((B, C, L), jnp.float32),
    )(emb2, W, b.reshape(C, 1))


def kernel(x, table, W, b):
    idx = _tc_hash(x)
    idx_perm = idx.reshape(B, 8, 64).transpose(0, 2, 1)
    idx3 = idx_perm.reshape(NW, NCHUNK, CHUNK)
    tbl_lin = _tc_repack(table.T).reshape(NSLOT * 8, E)
    emb = _sc_gather(tbl_lin, idx3)
    emb2 = emb.reshape(ROWS // 8, 128)
    return _tc_project(emb2, W, b)

# --- scband reference (transcript-rebuilt; emitter-appended) ---
"""Pipeline reference for scband-spatial-engram1-d-38199439131348 (READ-ONLY COPY).

The authoritative reference and input builder live on the scoring server;
editing this copy changes nothing except your own understanding.
"""

import jax, jax.numpy as jnp
import numpy as np

IN_CHANNELS = 64
WINDOW_SIZE = 4
NUM_PATTERNS = 1000000
EMBED_DIM = 16
B, C, L = 256, 64, 512


def setup_inputs(seed: int = 0) -> dict:
    key = jax.random.key(seed)
    k1, k2, k3 = jax.random.split(key, 3)
    x = jax.random.normal(k1, (B, C, L), dtype=jnp.float32)
    # learned parameters
    table = jax.random.normal(k2, (NUM_PATTERNS, EMBED_DIM), dtype=jnp.float32) * 0.02
    W = jax.random.normal(k3, (IN_CHANNELS, EMBED_DIM), dtype=jnp.float32) * (1.0 / np.sqrt(EMBED_DIM))
    b = jnp.zeros((IN_CHANNELS,), dtype=jnp.float32)
    return {"x": x, "table": table, "W": W, "b": b}


def reference(x, table, W, b):
    batch, channels, seq_len = x.shape
    pad = WINDOW_SIZE // 2
    # replicate padding (torch F.pad mode='replicate' == jnp 'edge')
    xp = jnp.pad(x, ((0, 0), (0, 0), (pad, pad)), mode="edge")
    # windows[b, c, i, j] = xp[b, c, i + j]  -> all sliding windows, vectorized over i
    windows = jnp.stack([xp[:, :, j:j + seq_len] for j in range(WINDOW_SIZE)], axis=-1)  # [B, C, L, w]
    # hash: (window_flat * 31).sum over (channels, window) -> [B, L]; int path is non-differentiable
    hashed = (jax.lax.stop_gradient(windows) * 31.0).sum(axis=(1, 3))
    idx = hashed.astype(jnp.int64) % NUM_PATTERNS
    idx = jnp.clip(idx, 0, NUM_PATTERNS - 1)
    emb = jnp.take(table, idx, axis=0)  # [B, L, E] gather (embedding lookup)
    out = emb @ W.T + b  # [B, L, C] linear projection
    return jnp.transpose(out, (0, 2, 1))  # [B, C, L]

if __name__ == "__main__":
    import jax
    _d = setup_inputs()
    print(jax.jit(kernel)(*tuple(_d.values())))

</pallas_src>

<mosaic_0001>
#map = affine_map<(d0, d1) -> (0, 0)>
#map1 = affine_map<(d0, d1) -> (0, 0, 0)>
module attributes {stable_mosaic.version = 14 : i64} {
  func.func @gather_k(%arg0: i32, %arg1: i32, %arg2: memref<1015808x16xf32, #tpu.memory_space<hbm>>, %arg3: memref<32x32x128xi32, #tpu.memory_space<hbm>>, %arg4: memref<131072x16xf32, #tpu.memory_space<hbm>>, %arg5: memref<32x128xi32, #tpu.memory_space<vmem>>, %arg6: memref<4096x16xf32, #tpu.memory_space<vmem>>, %arg7: memref<!tpu.dma_semaphore, #tpu.memory_space<semaphore_mem>>) attributes {dimension_semantics = [#tpu.dimension_semantics<core_parallel>, #tpu.dimension_semantics<subcore_parallel>], iteration_bounds = array<i64: 2, 16>, scalar_prefetch = 0 : i64, scratch_operands = 3 : i64, tpu.core_type = #tpu.core_type<sc_vector_subcore>, window_params = [{transform_indices = #map}, {transform_indices = #map1}, {transform_indices = #map}]} {
    %mul3A = arith.constant 2 : i32
    %mul3A_0 = arith.muli %arg1, %mul3A : i32
    %add3A = arith.addi %mul3A_0, %arg0 : i32
    "tpu.region"() ({
      %run_scoped3A = tpu.sem_alloc : memref<!tpu.dma_semaphore, #tpu.memory_space<semaphore_mem>>
      %dma_start3A = arith.constant 0 : i32
      %dma_start3A_9 = arith.constant 0 : i32
      %dma_start3A_10 = tpu.memref_slice %arg3[%add3A, %dma_start3A, %dma_start3A_9] : memref<32x32x128xi32, #tpu.memory_space<hbm>> -> memref<1x32x128xi32, #tpu.memory_space<hbm>>
      %dma_start3A_11 = tpu.memref_squeeze %dma_start3A_10 : memref<1x32x128xi32, #tpu.memory_space<hbm>> -> memref<32x128xi32, #tpu.memory_space<hbm>>
      %dma_start3A_12 = arith.constant 0 : i32
      %dma_start3A_13 = arith.constant 0 : i32
      %dma_start3A_14 = tpu.memref_slice %arg3[%add3A, %dma_start3A_12, %dma_start3A_13] : memref<32x32x128xi32, #tpu.memory_space<hbm>> -> memref<1x32x128xi32, #tpu.memory_space<hbm>>
      %dma_start3A_15 = tpu.memref_squeeze %dma_start3A_14 : memref<1x32x128xi32, #tpu.memory_space<hbm>> -> memref<32x128xi32, #tpu.memory_space<hbm>>
      tpu.enqueue_dma source(%dma_start3A_15 : memref<32x128xi32, #tpu.memory_space<hbm>>) target(%arg5 : memref<32x128xi32, #tpu.memory_space<vmem>>) target_semaphore(%run_scoped3A : memref<!tpu.dma_semaphore, #tpu.memory_space<semaphore_mem>>)
      %dma_wait3A = arith.constant 0 : i32
      %dma_wait3A_16 = arith.constant 0 : i32
      %dma_wait3A_17 = tpu.memref_slice %arg3[%add3A, %dma_wait3A, %dma_wait3A_16] : memref<32x32x128xi32, #tpu.memory_space<hbm>> -> memref<1x32x128xi32, #tpu.memory_space<hbm>>
      %dma_wait3A_18 = tpu.memref_squeeze %dma_wait3A_17 : memref<1x32x128xi32, #tpu.memory_space<hbm>> -> memref<32x128xi32, #tpu.memory_space<hbm>>
      %dma_wait3A_19 = arith.constant 0 : i32
      %dma_wait3A_20 = arith.constant 0 : i32
      %dma_wait3A_21 = tpu.memref_slice %arg3[%add3A, %dma_wait3A_19, %dma_wait3A_20] : memref<32x32x128xi32, #tpu.memory_space<hbm>> -> memref<1x32x128xi32, #tpu.memory_space<hbm>>
      %dma_wait3A_22 = tpu.memref_squeeze %dma_wait3A_21 : memref<1x32x128xi32, #tpu.memory_space<hbm>> -> memref<32x128xi32, #tpu.memory_space<hbm>>
      tpu.wait_dma2 semaphore(%run_scoped3A : memref<!tpu.dma_semaphore, #tpu.memory_space<semaphore_mem>>) src(%dma_wait3A_22 : memref<32x128xi32, #tpu.memory_space<hbm>>) dst(%arg5 : memref<32x128xi32, #tpu.memory_space<vmem>>)
      tpu.yield
    }) : () -> ()
    %scan3A = arith.constant 0 : i32
    %scan3A_1 = arith.constant 0 : i32
    %scan3A_2 = arith.constant 4 : i32
    %scan3A_3 = arith.addi %scan3A_1, %scan3A_2 : i32
    %scan3A_4 = arith.constant 1 : i32
    %scan3A_5 = scf.for %scan3A_9 = %scan3A_1 to %scan3A_3 step %scan3A_4 iter_args(%scan3A_10 = %scan3A) -> (i32)  : i32 {
      %mul3A_11 = arith.constant 8 : i32
      %mul3A_12 = arith.muli %scan3A_9, %mul3A_11 : i32
      %add3A_13 = arith.constant 0 : i32
      %add3A_14 = arith.addi %mul3A_12, %add3A_13 : i32
      %mul3A_15 = arith.constant 128 : i32
      %mul3A_16 = arith.muli %add3A_14, %mul3A_15 : i32
      %dma_start3A = arith.constant 0 : i32
      %dma_start3A_17 = tpu.memref_slice %arg6[%mul3A_16, %dma_start3A] : memref<4096x16xf32, #tpu.memory_space<vmem>> -> memref<128x16xf32, #tpu.memory_space<vmem>>
      %dma_start3A_18 = arith.constant 0 : i32
      %dma_start3A_19 = tpu.memref_slice %arg5[%add3A_14, %dma_start3A_18] : memref<32x128xi32, #tpu.memory_space<vmem>> -> memref<1x128xi32, #tpu.memory_space<vmem>>
      %dma_start3A_20 = tpu.memref_squeeze %dma_start3A_19 : memref<1x128xi32, #tpu.memory_space<vmem>> -> memref<128xi32, #tpu.memory_space<vmem>>
      %dma_start3A_21 = arith.constant 0 : i32
      %dma_start3A_22 = arith.constant 0 : i32
      %dma_start3A_23 = tpu.memref_slice %arg2[%dma_start3A_21, %dma_start3A_22] : memref<1015808x16xf32, #tpu.memory_space<hbm>> -> memref<1015808x16xf32, #tpu.memory_space<hbm>>
      tpu.enqueue_indirect_dma source(%dma_start3A_23 : memref<1015808x16xf32, #tpu.memory_space<hbm>>) target(%dma_start3A_17 : memref<128x16xf32, #tpu.memory_space<vmem>>) offsets(%dma_start3A_20 : memref<128xi32, #tpu.memory_space<vmem>>) semaphore(%arg7 : memref<!tpu.dma_semaphore, #tpu.memory_space<semaphore_mem>>)
      %add3A_24 = arith.constant 1 : i32
      %add3A_25 = arith.addi %mul3A_12, %add3A_24 : i32
      %mul3A_26 = arith.constant 128 : i32
      %mul3A_27 = arith.muli %add3A_25, %mul3A_26 : i32
      %dma_start3A_28 = arith.constant 0 : i32
      %dma_start3A_29 = tpu.memref_slice %arg6[%mul3A_27, %dma_start3A_28] : memref<4096x16xf32, #tpu.memory_space<vmem>> -> memref<128x16xf32, #tpu.memory_space<vmem>>
      %dma_start3A_30 = arith.constant 0 : i32
      %dma_start3A_31 = tpu.memref_slice %arg5[%add3A_25, %dma_start3A_30] : memref<32x128xi32, #tpu.memory_space<vmem>> -> memref<1x128xi32, #tpu.memory_space<vmem>>
      %dma_start3A_32 = tpu.memref_squeeze %dma_start3A_31 : memref<1x128xi32, #tpu.memory_space<vmem>> -> memref<128xi32, #tpu.memory_space<vmem>>
      %dma_start3A_33 = arith.constant 0 : i32
      %dma_start3A_34 = arith.constant 0 : i32
      %dma_start3A_35 = tpu.memref_slice %arg2[%dma_start3A_33, %dma_start3A_34] : memref<1015808x16xf32, #tpu.memory_space<hbm>> -> memref<1015808x16xf32, #tpu.memory_space<hbm>>
      tpu.enqueue_indirect_dma source(%dma_start3A_35 : memref<1015808x16xf32, #tpu.memory_space<hbm>>) target(%dma_start3A_29 : memref<128x16xf32, #tpu.memory_space<vmem>>) offsets(%dma_start3A_32 : memref<128xi32, #tpu.memory_space<vmem>>) semaphore(%arg7 : memref<!tpu.dma_semaphore, #tpu.memory_space<semaphore_mem>>)
      %add3A_36 = arith.constant 2 : i32
      %add3A_37 = arith.addi %mul3A_12, %add3A_36 : i32
      %mul3A_38 = arith.constant 128 : i32
      %mul3A_39 = arith.muli %add3A_37, %mul3A_38 : i32
      %dma_start3A_40 = arith.constant 0 : i32
      %dma_start3A_41 = tpu.memref_slice %arg6[%mul3A_39, %dma_start3A_40] : memref<4096x16xf32, #tpu.memory_space<vmem>> -> memref<128x16xf32, #tpu.memory_space<vmem>>
      %dma_start3A_42 = arith.constant 0 : i32
      %dma_start3A_43 = tpu.memref_slice %arg5[%add3A_37, %dma_start3A_42] : memref<32x128xi32, #tpu.memory_space<vmem>> -> memref<1x128xi32, #tpu.memory_space<vmem>>
      %dma_start3A_44 = tpu.memref_squeeze %dma_start3A_43 : memref<1x128xi32, #tpu.memory_space<vmem>> -> memref<128xi32, #tpu.memory_space<vmem>>
      %dma_start3A_45 = arith.constant 0 : i32
      %dma_start3A_46 = arith.constant 0 : i32
      %dma_start3A_47 = tpu.memref_slice %arg2[%dma_start3A_45, %dma_start3A_46] : memref<1015808x16xf32, #tpu.memory_space<hbm>> -> memref<1015808x16xf32, #tpu.memory_space<hbm>>
      tpu.enqueue_indirect_dma source(%dma_start3A_47 : memref<1015808x16xf32, #tpu.memory_space<hbm>>) target(%dma_start3A_41 : memref<128x16xf32, #tpu.memory_space<vmem>>) offsets(%dma_start3A_44 : memref<128xi32, #tpu.memory_space<vmem>>) semaphore(%arg7 : memref<!tpu.dma_semaphore, #tpu.memory_space<semaphore_mem>>)
      %add3A_48 = arith.constant 3 : i32
      %add3A_49 = arith.addi %mul3A_12, %add3A_48 : i32
      %mul3A_50 = arith.constant 128 : i32
      %mul3A_51 = arith.muli %add3A_49, %mul3A_50 : i32
      %dma_start3A_52 = arith.constant 0 : i32
      %dma_start3A_53 = tpu.memref_slice %arg6[%mul3A_51, %dma_start3A_52] : memref<4096x16xf32, #tpu.memory_space<vmem>> -> memref<128x16xf32, #tpu.memory_space<vmem>>
      %dma_start3A_54 = arith.constant 0 : i32
      %dma_start3A_55 = tpu.memref_slice %arg5[%add3A_49, %dma_start3A_54] : memref<32x128xi32, #tpu.memory_space<vmem>> -> memref<1x128xi32, #tpu.memory_space<vmem>>
      %dma_start3A_56 = tpu.memref_squeeze %dma_start3A_55 : memref<1x128xi32, #tpu.memory_space<vmem>> -> memref<128xi32, #tpu.memory_space<vmem>>
      %dma_start3A_57 = arith.constant 0 : i32
      %dma_start3A_58 = arith.constant 0 : i32
      %dma_start3A_59 = tpu.memref_slice %arg2[%dma_start3A_57, %dma_start3A_58] : memref<1015808x16xf32, #tpu.memory_space<hbm>> -> memref<1015808x16xf32, #tpu.memory_space<hbm>>
      tpu.enqueue_indirect_dma source(%dma_start3A_59 : memref<1015808x16xf32, #tpu.memory_space<hbm>>) target(%dma_start3A_53 : memref<128x16xf32, #tpu.memory_space<vmem>>) offsets(%dma_start3A_56 : memref<128xi32, #tpu.memory_space<vmem>>) semaphore(%arg7 : memref<!tpu.dma_semaphore, #tpu.memory_space<semaphore_mem>>)
      %add3A_60 = arith.constant 4 : i32
      %add3A_61 = arith.addi %mul3A_12, %add3A_60 : i32
      %mul3A_62 = arith.constant 128 : i32
      %mul3A_63 = arith.muli %add3A_61, %mul3A_62 : i32
      %dma_start3A_64 = arith.constant 0 : i32
      %dma_start3A_65 = tpu.memref_slice %arg6[%mul3A_63, %dma_start3A_64] : memref<4096x16xf32, #tpu.memory_space<vmem>> -> memref<128x16xf32, #tpu.memory_space<vmem>>
      %dma_start3A_66 = arith.constant 0 : i32
      %dma_start3A_67 = tpu.memref_slice %arg5[%add3A_61, %dma_start3A_66] : memref<32x128xi32, #tpu.memory_space<vmem>> -> memref<1x128xi32, #tpu.memory_space<vmem>>
      %dma_start3A_68 = tpu.memref_squeeze %dma_start3A_67 : memref<1x128xi32, #tpu.memory_space<vmem>> -> memref<128xi32, #tpu.memory_space<vmem>>
      %dma_start3A_69 = arith.constant 0 : i32
      %dma_start3A_70 = arith.constant 0 : i32
      %dma_start3A_71 = tpu.memref_slice %arg2[%dma_start3A_69, %dma_start3A_70] : memref<1015808x16xf32, #tpu.memory_space<hbm>> -> memref<1015808x16xf32, #tpu.memory_space<hbm>>
      tpu.enqueue_indirect_dma source(%dma_start3A_71 : memref<1015808x16xf32, #tpu.memory_space<hbm>>) target(%dma_start3A_65 : memref<128x16xf32, #tpu.memory_space<vmem>>) offsets(%dma_start3A_68 : memref<128xi32, #tpu.memory_space<vmem>>) semaphore(%arg7 : memref<!tpu.dma_semaphore, #tpu.memory_space<semaphore_mem>>)
      %add3A_72 = arith.constant 5 : i32
      %add3A_73 = arith.addi %mul3A_12, %add3A_72 : i32
      %mul3A_74 = arith.constant 128 : i32
      %mul3A_75 = arith.muli %add3A_73, %mul3A_74 : i32
      %dma_start3A_76 = arith.constant 0 : i32
      %dma_start3A_77 = tpu.memref_slice %arg6[%mul3A_75, %dma_start3A_76] : memref<4096x16xf32, #tpu.memory_space<vmem>> -> memref<128x16xf32, #tpu.memory_space<vmem>>
      %dma_start3A_78 = arith.constant 0 : i32
      %dma_start3A_79 = tpu.memref_slice %arg5[%add3A_73, %dma_start3A_78] : memref<32x128xi32, #tpu.memory_space<vmem>> -> memref<1x128xi32, #tpu.memory_space<vmem>>
      %dma_start3A_80 = tpu.memref_squeeze %dma_start3A_79 : memref<1x128xi32, #tpu.memory_space<vmem>> -> memref<128xi32, #tpu.memory_space<vmem>>
      %dma_start3A_81 = arith.constant 0 : i32
      %dma_start3A_82 = arith.constant 0 : i32
      %dma_start3A_83 = tpu.memref_slice %arg2[%dma_start3A_81, %dma_start3A_82] : memref<1015808x16xf32, #tpu.memory_space<hbm>> -> memref<1015808x16xf32, #tpu.memory_space<hbm>>
      tpu.enqueue_indirect_dma source(%dma_start3A_83 : memref<1015808x16xf32, #tpu.memory_space<hbm>>) target(%dma_start3A_77 : memref<128x16xf32, #tpu.memory_space<vmem>>) offsets(%dma_start3A_80 : memref<128xi32, #tpu.memory_space<vmem>>) semaphore(%arg7 : memref<!tpu.dma_semaphore, #tpu.memory_space<semaphore_mem>>)
      %add3A_84 = arith.constant 6 : i32
      %add3A_85 = arith.addi %mul3A_12, %add3A_84 : i32
      %mul3A_86 = arith.constant 128 : i32
      %mul3A_87 = arith.muli %add3A_85, %mul3A_86 : i32
      %dma_start3A_88 = arith.constant 0 : i32
      %dma_start3A_89 = tpu.memref_slice %arg6[%mul3A_87, %dma_start3A_88] : memref<4096x16xf32, #tpu.memory_space<vmem>> -> memref<128x16xf32, #tpu.memory_space<vmem>>
      %dma_start3A_90 = arith.constant 0 : i32
      %dma_start3A_91 = tpu.memref_slice %arg5[%add3A_85, %dma_start3A_90] : memref<32x128xi32, #tpu.memory_space<vmem>> -> memref<1x128xi32, #tpu.memory_space<vmem>>
      %dma_start3A_92 = tpu.memref_squeeze %dma_start3A_91 : memref<1x128xi32, #tpu.memory_space<vmem>> -> memref<128xi32, #tpu.memory_space<vmem>>
      %dma_start3A_93 = arith.constant 0 : i32
      %dma_start3A_94 = arith.constant 0 : i32
      %dma_start3A_95 = tpu.memref_slice %arg2[%dma_start3A_93, %dma_start3A_94] : memref<1015808x16xf32, #tpu.memory_space<hbm>> -> memref<1015808x16xf32, #tpu.memory_space<hbm>>
      tpu.enqueue_indirect_dma source(%dma_start3A_95 : memref<1015808x16xf32, #tpu.memory_space<hbm>>) target(%dma_start3A_89 : memref<128x16xf32, #tpu.memory_space<vmem>>) offsets(%dma_start3A_92 : memref<128xi32, #tpu.memory_space<vmem>>) semaphore(%arg7 : memref<!tpu.dma_semaphore, #tpu.memory_space<semaphore_mem>>)
      %add3A_96 = arith.constant 7 : i32
      %add3A_97 = arith.addi %mul3A_12, %add3A_96 : i32
      %mul3A_98 = arith.constant 128 : i32
      %mul3A_99 = arith.muli %add3A_97, %mul3A_98 : i32
      %dma_start3A_100 = arith.constant 0 : i32
      %dma_start3A_101 = tpu.memref_slice %arg6[%mul3A_99, %dma_start3A_100] : memref<4096x16xf32, #tpu.memory_space<vmem>> -> memref<128x16xf32, #tpu.memory_space<vmem>>
      %dma_start3A_102 = arith.constant 0 : i32
      %dma_start3A_103 = tpu.memref_slice %arg5[%add3A_97, %dma_start3A_102] : memref<32x128xi32, #tpu.memory_space<vmem>> -> memref<1x128xi32, #tpu.memory_space<vmem>>
      %dma_start3A_104 = tpu.memref_squeeze %dma_start3A_103 : memref<1x128xi32, #tpu.memory_space<vmem>> -> memref<128xi32, #tpu.memory_space<vmem>>
      %dma_start3A_105 = arith.constant 0 : i32
      %dma_start3A_106 = arith.constant 0 : i32
      %dma_start3A_107 = tpu.memref_slice %arg2[%dma_start3A_105, %dma_start3A_106] : memref<1015808x16xf32, #tpu.memory_space<hbm>> -> memref<1015808x16xf32, #tpu.memory_space<hbm>>
      tpu.enqueue_indirect_dma source(%dma_start3A_107 : memref<1015808x16xf32, #tpu.memory_space<hbm>>) target(%dma_start3A_101 : memref<128x16xf32, #tpu.memory_space<vmem>>) offsets(%dma_start3A_104 : memref<128xi32, #tpu.memory_space<vmem>>) semaphore(%arg7 : memref<!tpu.dma_semaphore, #tpu.memory_space<semaphore_mem>>)
      %dma_wait3A = arith.constant 0 : i32
      %dma_wait3A_108 = tpu.memref_slice %arg6[%mul3A_16, %dma_wait3A] : memref<4096x16xf32, #tpu.memory_space<vmem>> -> memref<128x16xf32, #tpu.memory_space<vmem>>
      %dma_wait3A_109 = arith.constant 0 : i32
      %dma_wait3A_110 = tpu.memref_slice %arg5[%add3A_14, %dma_wait3A_109] : memref<32x128xi32, #tpu.memory_space<vmem>> -> memref<1x128xi32, #tpu.memory_space<vmem>>
      %dma_wait3A_111 = tpu.memref_squeeze %dma_wait3A_110 : memref<1x128xi32, #tpu.memory_space<vmem>> -> memref<128xi32, #tpu.memory_space<vmem>>
      %dma_wait3A_112 = arith.constant 0 : i32
      %dma_wait3A_113 = arith.constant 0 : i32
      %dma_wait3A_114 = tpu.memref_slice %arg2[%dma_wait3A_112, %dma_wait3A_113] : memref<1015808x16xf32, #tpu.memory_space<hbm>> -> memref<1015808x16xf32, #tpu.memory_space<hbm>>
      tpu.wait_indirect_dma semaphore(%arg7 : memref<!tpu.dma_semaphore, #tpu.memory_space<semaphore_mem>>) src(%dma_wait3A_114 : memref<1015808x16xf32, #tpu.memory_space<hbm>>) dst(%dma_wait3A_108 : memref<128x16xf32, #tpu.memory_space<vmem>>)
      %dma_wait3A_115 = arith.constant 0 : i32
      %dma_wait3A_116 = tpu.memref_slice %arg6[%mul3A_27, %dma_wait3A_115] : memref<4096x16xf32, #tpu.memory_space<vmem>> -> memref<128x16xf32, #tpu.memory_space<vmem>>
      %dma_wait3A_117 = arith.constant 0 : i32
      %dma_wait3A_118 = tpu.memref_slice %arg5[%add3A_25, %dma_wait3A_117] : memref<32x128xi32, #tpu.memory_space<vmem>> -> memref<1x128xi32, #tpu.memory_space<vmem>>
      %dma_wait3A_119 = tpu.memref_squeeze %dma_wait3A_118 : memref<1x128xi32, #tpu.memory_space<vmem>> -> memref<128xi32, #tpu.memory_space<vmem>>
      %dma_wait3A_120 = arith.constant 0 : i32
      %dma_wait3A_121 = arith.constant 0 : i32
      %dma_wait3A_122 = tpu.memref_slice %arg2[%dma_wait3A_120, %dma_wait3A_121] : memref<1015808x16xf32, #tpu.memory_space<hbm>> -> memref<1015808x16xf32, #tpu.memory_space<hbm>>
      tpu.wait_indirect_dma semaphore(%arg7 : memref<!tpu.dma_semaphore, #tpu.memory_space<semaphore_mem>>) src(%dma_wait3A_122 : memref<1015808x16xf32, #tpu.memory_space<hbm>>) dst(%dma_wait3A_116 : memref<128x16xf32, #tpu.memory_space<vmem>>)
      %dma_wait3A_123 = arith.constant 0 : i32
      %dma_wait3A_124 = tpu.memref_slice %arg6[%mul3A_39, %dma_wait3A_123] : memref<4096x16xf32, #tpu.memory_space<vmem>> -> memref<128x16xf32, #tpu.memory_space<vmem>>
      %dma_wait3A_125 = arith.constant 0 : i32
      %dma_wait3A_126 = tpu.memref_slice %arg5[%add3A_37, %dma_wait3A_125] : memref<32x128xi32, #tpu.memory_space<vmem>> -> memref<1x128xi32, #tpu.memory_space<vmem>>
      %dma_wait3A_127 = tpu.memref_squeeze %dma_wait3A_126 : memref<1x128xi32, #tpu.memory_space<vmem>> -> memref<128xi32, #tpu.memory_space<vmem>>
      %dma_wait3A_128 = arith.constant 0 : i32
      %dma_wait3A_129 = arith.constant 0 : i32
      %dma_wait3A_130 = tpu.memref_slice %arg2[%dma_wait3A_128, %dma_wait3A_129] : memref<1015808x16xf32, #tpu.memory_space<hbm>> -> memref<1015808x16xf32, #tpu.memory_space<hbm>>
      tpu.wait_indirect_dma semaphore(%arg7 : memref<!tpu.dma_semaphore, #tpu.memory_space<semaphore_mem>>) src(%dma_wait3A_130 : memref<1015808x16xf32, #tpu.memory_space<hbm>>) dst(%dma_wait3A_124 : memref<128x16xf32, #tpu.memory_space<vmem>>)
      %dma_wait3A_131 = arith.constant 0 : i32
      %dma_wait3A_132 = tpu.memref_slice %arg6[%mul3A_51, %dma_wait3A_131] : memref<4096x16xf32, #tpu.memory_space<vmem>> -> memref<128x16xf32, #tpu.memory_space<vmem>>
      %dma_wait3A_133 = arith.constant 0 : i32
      %dma_wait3A_134 = tpu.memref_slice %arg5[%add3A_49, %dma_wait3A_133] : memref<32x128xi32, #tpu.memory_space<vmem>> -> memref<1x128xi32, #tpu.memory_space<vmem>>
      %dma_wait3A_135 = tpu.memref_squeeze %dma_wait3A_134 : memref<1x128xi32, #tpu.memory_space<vmem>> -> memref<128xi32, #tpu.memory_space<vmem>>
      %dma_wait3A_136 = arith.constant 0 : i32
      %dma_wait3A_137 = arith.constant 0 : i32
      %dma_wait3A_138 = tpu.memref_slice %arg2[%dma_wait3A_136, %dma_wait3A_137] : memref<1015808x16xf32, #tpu.memory_space<hbm>> -> memref<1015808x16xf32, #tpu.memory_space<hbm>>
      tpu.wait_indirect_dma semaphore(%arg7 : memref<!tpu.dma_semaphore, #tpu.memory_space<semaphore_mem>>) src(%dma_wait3A_138 : memref<1015808x16xf32, #tpu.memory_space<hbm>>) dst(%dma_wait3A_132 : memref<128x16xf32, #tpu.memory_space<vmem>>)
      %dma_wait3A_139 = arith.constant 0 : i32
      %dma_wait3A_140 = tpu.memref_slice %arg6[%mul3A_63, %dma_wait3A_139] : memref<4096x16xf32, #tpu.memory_space<vmem>> -> memref<128x16xf32, #tpu.memory_space<vmem>>
      %dma_wait3A_141 = arith.constant 0 : i32
      %dma_wait3A_142 = tpu.memref_slice %arg5[%add3A_61, %dma_wait3A_141] : memref<32x128xi32, #tpu.memory_space<vmem>> -> memref<1x128xi32, #tpu.memory_space<vmem>>
      %dma_wait3A_143 = tpu.memref_squeeze %dma_wait3A_142 : memref<1x128xi32, #tpu.memory_space<vmem>> -> memref<128xi32, #tpu.memory_space<vmem>>
      %dma_wait3A_144 = arith.constant 0 : i32
      %dma_wait3A_145 = arith.constant 0 : i32
      %dma_wait3A_146 = tpu.memref_slice %arg2[%dma_wait3A_144, %dma_wait3A_145] : memref<1015808x16xf32, #tpu.memory_space<hbm>> -> memref<1015808x16xf32, #tpu.memory_space<hbm>>
      tpu.wait_indirect_dma semaphore(%arg7 : memref<!tpu.dma_semaphore, #tpu.memory_space<semaphore_mem>>) src(%dma_wait3A_146 : memref<1015808x16xf32, #tpu.memory_space<hbm>>) dst(%dma_wait3A_140 : memref<128x16xf32, #tpu.memory_space<vmem>>)
      %dma_wait3A_147 = arith.constant 0 : i32
      %dma_wait3A_148 = tpu.memref_slice %arg6[%mul3A_75, %dma_wait3A_147] : memref<4096x16xf32, #tpu.memory_space<vmem>> -> memref<128x16xf32, #tpu.memory_space<vmem>>
      %dma_wait3A_149 = arith.constant 0 : i32
      %dma_wait3A_150 = tpu.memref_slice %arg5[%add3A_73, %dma_wait3A_149] : memref<32x128xi32, #tpu.memory_space<vmem>> -> memref<1x128xi32, #tpu.memory_space<vmem>>
      %dma_wait3A_151 = tpu.memref_squeeze %dma_wait3A_150 : memref<1x128xi32, #tpu.memory_space<vmem>> -> memref<128xi32, #tpu.memory_space<vmem>>
      %dma_wait3A_152 = arith.constant 0 : i32
      %dma_wait3A_153 = arith.constant 0 : i32
      %dma_wait3A_154 = tpu.memref_slice %arg2[%dma_wait3A_152, %dma_wait3A_153] : memref<1015808x16xf32, #tpu.memory_space<hbm>> -> memref<1015808x16xf32, #tpu.memory_space<hbm>>
      tpu.wait_indirect_dma semaphore(%arg7 : memref<!tpu.dma_semaphore, #tpu.memory_space<semaphore_mem>>) src(%dma_wait3A_154 : memref<1015808x16xf32, #tpu.memory_space<hbm>>) dst(%dma_wait3A_148 : memref<128x16xf32, #tpu.memory_space<vmem>>)
      %dma_wait3A_155 = arith.constant 0 : i32
      %dma_wait3A_156 = tpu.memref_slice %arg6[%mul3A_87, %dma_wait3A_155] : memref<4096x16xf32, #tpu.memory_space<vmem>> -> memref<128x16xf32, #tpu.memory_space<vmem>>
      %dma_wait3A_157 = arith.constant 0 : i32
      %dma_wait3A_158 = tpu.memref_slice %arg5[%add3A_85, %dma_wait3A_157] : memref<32x128xi32, #tpu.memory_space<vmem>> -> memref<1x128xi32, #tpu.memory_space<vmem>>
      %dma_wait3A_159 = tpu.memref_squeeze %dma_wait3A_158 : memref<1x128xi32, #tpu.memory_space<vmem>> -> memref<128xi32, #tpu.memory_space<vmem>>
      %dma_wait3A_160 = arith.constant 0 : i32
      %dma_wait3A_161 = arith.constant 0 : i32
      %dma_wait3A_162 = tpu.memref_slice %arg2[%dma_wait3A_160, %dma_wait3A_161] : memref<1015808x16xf32, #tpu.memory_space<hbm>> -> memref<1015808x16xf32, #tpu.memory_space<hbm>>
      tpu.wait_indirect_dma semaphore(%arg7 : memref<!tpu.dma_semaphore, #tpu.memory_space<semaphore_mem>>) src(%dma_wait3A_162 : memref<1015808x16xf32, #tpu.memory_space<hbm>>) dst(%dma_wait3A_156 : memref<128x16xf32, #tpu.memory_space<vmem>>)
      %dma_wait3A_163 = arith.constant 0 : i32
      %dma_wait3A_164 = tpu.memref_slice %arg6[%mul3A_99, %dma_wait3A_163] : memref<4096x16xf32, #tpu.memory_space<vmem>> -> memref<128x16xf32, #tpu.memory_space<vmem>>
      %dma_wait3A_165 = arith.constant 0 : i32
      %dma_wait3A_166 = tpu.memref_slice %arg5[%add3A_97, %dma_wait3A_165] : memref<32x128xi32, #tpu.memory_space<vmem>> -> memref<1x128xi32, #tpu.memory_space<vmem>>
      %dma_wait3A_167 = tpu.memref_squeeze %dma_wait3A_166 : memref<1x128xi32, #tpu.memory_space<vmem>> -> memref<128xi32, #tpu.memory_space<vmem>>
      %dma_wait3A_168 = arith.constant 0 : i32
      %dma_wait3A_169 = arith.constant 0 : i32
      %dma_wait3A_170 = tpu.memref_slice %arg2[%dma_wait3A_168, %dma_wait3A_169] : memref<1015808x16xf32, #tpu.memory_space<hbm>> -> memref<1015808x16xf32, #tpu.memory_space<hbm>>
      tpu.wait_indirect_dma semaphore(%arg7 : memref<!tpu.dma_semaphore, #tpu.memory_space<semaphore_mem>>) src(%dma_wait3A_170 : memref<1015808x16xf32, #tpu.memory_space<hbm>>) dst(%dma_wait3A_164 : memref<128x16xf32, #tpu.memory_space<vmem>>)
      %scan3A_171 = arith.constant 0 : i32
      scf.yield %scan3A_171 : i32
    }
    %scan3A_6 = arith.constant 4 : i32
    %mul3A_7 = arith.constant 4096 : i32
    %mul3A_8 = arith.muli %add3A, %mul3A_7 : i32
    "tpu.region"() ({
      %run_scoped3A = tpu.sem_alloc : memref<!tpu.dma_semaphore, #tpu.memory_space<semaphore_mem>>
      %dma_start3A = arith.constant 0 : i32
      %dma_start3A_9 = tpu.memref_slice %arg4[%mul3A_8, %dma_start3A] : memref<131072x16xf32, #tpu.memory_space<hbm>> -> memref<4096x16xf32, #tpu.memory_space<hbm>>
      %dma_start3A_10 = arith.constant 0 : i32
      %dma_start3A_11 = tpu.memref_slice %arg4[%mul3A_8, %dma_start3A_10] : memref<131072x16xf32, #tpu.memory_space<hbm>> -> memref<4096x16xf32, #tpu.memory_space<hbm>>
      tpu.enqueue_dma source(%arg6 : memref<4096x16xf32, #tpu.memory_space<vmem>>) target(%dma_start3A_11 : memref<4096x16xf32, #tpu.memory_space<hbm>>) target_semaphore(%run_scoped3A : memref<!tpu.dma_semaphore, #tpu.memory_space<semaphore_mem>>)
      %dma_wait3A = arith.constant 0 : i32
      %dma_wait3A_12 = tpu.memref_slice %arg4[%mul3A_8, %dma_wait3A] : memref<131072x16xf32, #tpu.memory_space<hbm>> -> memref<4096x16xf32, #tpu.memory_space<hbm>>
      %dma_wait3A_13 = arith.constant 0 : i32
      %dma_wait3A_14 = tpu.memref_slice %arg4[%mul3A_8, %dma_wait3A_13] : memref<131072x16xf32, #tpu.memory_space<hbm>> -> memref<4096x16xf32, #tpu.memory_space<hbm>>
      tpu.wait_dma2 semaphore(%run_scoped3A : memref<!tpu.dma_semaphore, #tpu.memory_space<semaphore_mem>>) src(%arg6 : memref<4096x16xf32, #tpu.memory_space<vmem>>) dst(%dma_wait3A_14 : memref<4096x16xf32, #tpu.memory_space<hbm>>)
      tpu.yield
    }) : () -> ()
    return
  }
}

module attributes {stable_mosaic.version = 14 : i64} {
  func.func @_repack_body(%arg0: i32, %arg1: memref<16x32768xf32, #tpu.memory_space<vmem>>, %arg2: memref<4096x128xf32, #tpu.memory_space<vmem>>) attributes {dimension_semantics = [#tpu.dimension_semantics<arbitrary>], iteration_bounds = array<i64: 31>, scalar_prefetch = 0 : i64, scratch_operands = 0 : i64, tpu.core_type = #tpu.core_type<tc>, window_params = [{transform_indices = @transform_0, window_bounds = array<i64: 16, 32768>}, {transform_indices = @transform_1, window_bounds = array<i64: 4096, 128>}]} {
    %get3A = arith.constant 0 : index
    %get3A_0 = arith.constant 0 : index
    %get3A_1 = vector.load %arg1[%get3A, %get3A_0] : memref<16x32768xf32, #tpu.memory_space<vmem>>, vector<16x32768xf32>
    %slice3A = vector.extract_strided_slice %get3A_1 {offsets = [0, 0], sizes = [16, 128], strides = [1, 1]} : vector<16x32768xf32> to vector<16x128xf32>
    %slice3A_2 = vector.extract_strided_slice %get3A_1 {offsets = [0, 128], sizes = [16, 128], strides = [1, 1]} : vector<16x32768xf32> to vector<16x128xf32>
    %slice3A_3 = vector.extract_strided_slice %get3A_1 {offsets = [0, 256], sizes = [16, 128], strides = [1, 1]} : vector<16x32768xf32> to vector<16x128xf32>
    %slice3A_4 = vector.extract_strided_slice %get3A_1 {offsets = [0, 384], sizes = [16, 128], strides = [1, 1]} : vector<16x32768xf32> to vector<16x128xf32>
    %slice3A_5 = vector.extract_strided_slice %get3A_1 {offsets = [0, 512], sizes = [16, 128], strides = [1, 1]} : vector<16x32768xf32> to vector<16x128xf32>
    %slice3A_6 = vector.extract_strided_slice %get3A_1 {offsets = [0, 640], sizes = [16, 128], strides = [1, 1]} : vector<16x32768xf32> to vector<16x128xf32>
    %slice3A_7 = vector.extract_strided_slice %get3A_1 {offsets = [0, 768], sizes = [16, 128], strides = [1, 1]} : vector<16x32768xf32> to vector<16x128xf32>
    %slice3A_8 = vector.extract_strided_slice %get3A_1 {offsets = [0, 896], sizes = [16, 128], strides = [1, 1]} : vector<16x32768xf32> to vector<16x128xf32>
    %concatenate3A = tpu.concatenate %slice3A, %slice3A_2, %slice3A_3, %slice3A_4, %slice3A_5, %slice3A_6, %slice3A_7, %slice3A_8 in 0 : vector<16x128xf32>, vector<16x128xf32>, vector<16x128xf32>, vector<16x128xf32>, vector<16x128xf32>, vector<16x128xf32>, vector<16x128xf32>, vector<16x128xf32> -> vector<128x128xf32>
    %transpose3A = tpu.transpose %concatenate3A, [1, 0] : vector<128x128xf32> -> vector<128x128xf32>
    %swap3A = arith.constant 0 : index
    %swap3A_9 = arith.constant 0 : index
    %swap3A_10 = vector.load %arg2[%swap3A, %swap3A_9] : memref<4096x128xf32, #tpu.memory_space<vmem>>, vector<128x128xf32>
    tpu.vector_store %arg2[%swap3A, %swap3A_9], %transpose3A {strides = array<i32>} : memref<4096x128xf32, #tpu.memory_space<vmem>>, vector<128x128xf32>,
    %slice3A_11 = vector.extract_strided_slice %get3A_1 {offsets = [0, 1024], sizes = [16, 128], strides = [1, 1]} : vector<16x32768xf32> to vector<16x128xf32>
    %slice3A_12 = vector.extract_strided_slice %get3A_1 {offsets = [0, 1152], sizes = [16, 128], strides = [1, 1]} : vector<16x32768xf32> to vector<16x128xf32>
    %slice3A_13 = vector.extract_strided_slice %get3A_1 {offsets = [0, 1280], sizes = [16, 128], strides = [1, 1]} : vector<16x32768xf32> to vector<16x128xf32>
    %slice3A_14 = vector.extract_strided_slice %get3A_1 {offsets = [0, 1408], sizes = [16, 128], strides = [1, 1]} : vector<16x32768xf32> to vector<16x128xf32>
    %slice3A_15 = vector.extract_strided_slice %get3A_1 {offsets = [0, 1536], sizes = [16, 128], strides = [1, 1]} : vector<16x32768xf32> to vector<16x128xf32>
    %slice3A_16 = vector.extract_strided_slice %get3A_1 {offsets = [0, 1664], sizes = [16, 128], strides = [1, 1]} : vector<16x32768xf32> to vector<16x128xf32>
    %slice3A_17 = vector.extract_strided_slice %get3A_1 {offsets = [0, 1792], sizes = [16, 128], strides = [1, 1]} : vector<16x32768xf32> to vector<16x128xf32>
    %slice3A_18 = vector.extract_strided_slice %get3A_1 {offsets = [0, 1920], sizes = [16, 128], strides = [1, 1]} : vector<16x32768xf32> to vector<16x128xf32>
    %concatenate3A_19 = tpu.concatenate %slice3A_11, %slice3A_12, %slice3A_13, %slice3A_14, %slice3A_15, %slice3A_16, %slice3A_17, %slice3A_18 in 0 : vector<16x128xf32>, vector<16x128xf32>, vector<16x128xf32>, vector<16x128xf32>, vector<16x128xf32>, vector<16x128xf32>, vector<16x128xf32>, vector<16x128xf32> -> vector<128x128xf32>
    %transpose3A_20 = tpu.transpose %concatenate3A_19, [1, 0] : vector<128x128xf32> -> vector<128x128xf32>
    %swap3A_21 = arith.constant 128 : index
    %swap3A_22 = arith.constant 0 : index
    %swap3A_23 = vector.load %arg2[%swap3A_21, %swap3A_22] : memref<4096x128xf32, #tpu.memory_space<vmem>>, vector<128x128xf32>
    tpu.vector_store %arg2[%swap3A_21, %swap3A_22], %transpose3A_20 {strides = array<i32>} : memref<4096x128xf32, #tpu.memory_space<vmem>>, vector<128x128xf32>,
    %slice3A_24 = vector.extract_strided_slice %get3A_1 {offsets = [0, 2048], sizes = [16, 128], strides = [1, 1]} : vector<16x32768xf32> to vector<16x128xf32>
    %slice3A_25 = vector.extract_strided_slice %get3A_1 {offsets = [0, 2176], sizes = [16, 128], strides = [1, 1]} : vector<16x32768xf32> to vector<16x128xf32>
    %slice3A_26 = vector.extract_strided_slice %get3A_1 {offsets = [0, 2304], sizes = [16, 128], strides = [1, 1]} : vector<16x32768xf32> to vector<16x128xf32>
    %slice3A_27 = vector.extract_strided_slice %get3A_1 {offsets = [0, 2432], sizes = [16, 128], strides = [1, 1]} : vector<16x32768xf32> to vector<16x128xf32>
    %slice3A_28 = vector.extract_strided_slice %get3A_1 {offsets = [0, 2560], sizes = [16, 128], strides = [1, 1]} : vector<16x32768xf32> to vector<16x128xf32>
    %slice3A_29 = vector.extract_strided_slice %get3A_1 {offsets = [0, 2688], sizes = [16, 128], strides = [1, 1]} : vector<16x32768xf32> to vector<16x128xf32>
    %slice3A_30 = vector.extract_strided_slice %get3A_1 {offsets = [0, 2816], sizes = [16, 128], strides = [1, 1]} : vector<16x32768xf32> to vector<16x128xf32>
    %slice3A_31 = vector.extract_strided_slice %get3A_1 {offsets = [0, 2944], sizes = [16, 128], strides = [1, 1]} : vector<16x32768xf32> to vector<16x128xf32>
    %concatenate3A_32 = tpu.concatenate %slice3A_24, %slice3A_25, %slice3A_26, %slice3A_27, %slice3A_28, %slice3A_29, %slice3A_30, %slice3A_31 in 0 : vector<16x128xf32>, vector<16x128xf32>, vector<16x128xf32>, vector<16x128xf32>, vector<16x128xf32>, vector<16x128xf32>, vector<16x128xf32>, vector<16x128xf32> -> vector<128x128xf32>
    %transpose3A_33 = tpu.transpose %concatenate3A_32, [1, 0] : vector<128x128xf32> -> vector<128x128xf32>
    %swap3A_34 = arith.constant 256 : index
    %swap3A_35 = arith.constant 0 : index
    %swap3A_36 = vector.load %arg2[%swap3A_34, %swap3A_35] : memref<4096x128xf32, #tpu.memory_space<vmem>>, vector<128x128xf32>
    tpu.vector_store %arg2[%swap3A_34, %swap3A_35], %transpose3A_33 {strides = array<i32>} : memref<4096x128xf32, #tpu.memory_space<vmem>>, vector<128x128xf32>,
    %slice3A_37 = vector.extract_strided_slice %get3A_1 {offsets = [0, 3072], sizes = [16, 128], strides = [1, 1]} : vector<16x32768xf32> to vector<16x128xf32>
    %slice3A_38 = vector.extract_strided_slice %get3A_1 {offsets = [0, 3200], sizes = [16, 128], strides = [1, 1]} : vector<16x32768xf32> to vector<16x128xf32>
    %slice3A_39 = vector.extract_strided_slice %get3A_1 {offsets = [0, 3328], sizes = [16, 128], strides = [1, 1]} : vector<16x32768xf32> to vector<16x128xf32>
    %slice3A_40 = vector.extract_strided_slice %get3A_1 {offsets = [0, 3456], sizes = [16, 128], strides = [1, 1]} : vector<16x32768xf32> to vector<16x128xf32>
    %slice3A_41 = vector.extract_strided_slice %get3A_1 {offsets = [0, 3584], sizes = [16, 128], strides = [1, 1]} : vector<16x32768xf32> to vector<16x128xf32>
    %slice3A_42 = vector.extract_strided_slice %get3A_1 {offsets = [0, 3712], sizes = [16, 128], strides = [1, 1]} : vector<16x32768xf32> to vector<16x128xf32>
    %slice3A_43 = vector.extract_strided_slice %get3A_1 {offsets = [0, 3840], sizes = [16, 128], strides = [1, 1]} : vector<16x32768xf32> to vector<16x128xf32>
    %slice3A_44 = vector.extract_strided_slice %get3A_1 {offsets = [0, 3968], sizes = [16, 128], strides = [1, 1]} : vector<16x32768xf32> to vector<16x128xf32>
    %concatenate3A_45 = tpu.concatenate %slice3A_37, %slice3A_38, %slice3A_39, %slice3A_40, %slice3A_41, %slice3A_42, %slice3A_43, %slice3A_44 in 0 : vector<16x128xf32>, vector<16x128xf32>, vector<16x128xf32>, vector<16x128xf32>, vector<16x128xf32>, vector<16x128xf32>, vector<16x128xf32>, vector<16x128xf32> -> vector<128x128xf32>
    %transpose3A_46 = tpu.transpose %concatenate3A_45, [1, 0] : vector<128x128xf32> -> vector<128x128xf32>
    %swap3A_47 = arith.constant 384 : index
    %swap3A_48 = arith.constant 0 : index
    %swap3A_49 = vector.load %arg2[%swap3A_47, %swap3A_48] : memref<4096x128xf32, #tpu.memory_space<vmem>>, vector<128x128xf32>
    tpu.vector_store %arg2[%swap3A_47, %swap3A_48], %transpose3A_46 {strides = array<i32>} : memref<4096x128xf32, #tpu.memory_space<vmem>>, vector<128x128xf32>,
    %slice3A_50 = vector.extract_strided_slice %get3A_1 {offsets = [0, 4096], sizes = [16, 128], strides = [1, 1]} : vector<16x32768xf32> to vector<16x128xf32>
    %slice3A_51 = vector.extract_strided_slice %get3A_1 {offsets = [0, 4224], sizes = [16, 128], strides = [1, 1]} : vector<16x32768xf32> to vector<16x128xf32>
    %slice3A_52 = vector.extract_strided_slice %get3A_1 {offsets = [0, 4352], sizes = [16, 128], strides = [1, 1]} : vector<16x32768xf32> to vector<16x128xf32>
    %slice3A_53 = vector.extract_strided_slice %get3A_1 {offsets = [0, 4480], sizes = [16, 128], strides = [1, 1]} : vector<16x32768xf32> to vector<16x128xf32>
    %slice3A_54 = vector.extract_strided_slice %get3A_1 {offsets = [0, 4608], sizes = [16, 128], strides = [1, 1]} : vector<16x32768xf32> to vector<16x128xf32>
    %slice3A_55 = vector.extract_strided_slice %get3A_1 {offsets = [0, 4736], sizes = [16, 128], strides = [1, 1]} : vector<16x32768xf32> to vector<16x128xf32>
    %slice3A_56 = vector.extract_strided_slice %get3A_1 {offsets = [0, 4864], sizes = [16, 128], strides = [1, 1]} : vector<16x32768xf32> to vector<16x128xf32>
    %slice3A_57 = vector.extract_strided_slice %get3A_1 {offsets = [0, 4992], sizes = [16, 128], strides = [1, 1]} : vector<16x32768xf32> to vector<16x128xf32>
    %concatenate3A_58 = tpu.concatenate %slice3A_50, %slice3A_51, %slice3A_52, %slice3A_53, %slice3A_54, %slice3A_55, %slice3A_56, %slice3A_57 in 0 : vector<16x128xf32>, vector<16x128xf32>, vector<16x128xf32>, vector<16x128xf32>, vector<16x128xf32>, vector<16x128xf32>, vector<16x128xf32>, vector<16x128xf32> -> vector<128x128xf32>
    %transpose3A_59 = tpu.transpose %concatenate3A_58, [1, 0] : vector<128x128xf32> -> vector<128x128xf32>
    %swap3A_60 = arith.constant 512 : index
    %swap3A_61 = arith.constant 0 : index
    %swap3A_62 = vector.load %arg2[%swap3A_60, %swap3A_61] : memref<4096x128xf32, #tpu.memory_space<vmem>>, vector<128x128xf32>
    tpu.vector_store %arg2[%swap3A_60, %swap3A_61], %transpose3A_59 {strides = array<i32>} : memref<4096x128xf32, #tpu.memory_space<vmem>>, vector<128x128xf32>,
    %slice3A_63 = vector.extract_strided_slice %get3A_1 {offsets = [0, 5120], sizes = [16, 128], strides = [1, 1]} : vector<16x32768xf32> to vector<16x128xf32>
    %slice3A_64 = vector.extract_strided_slice %get3A_1 {offsets = [0, 5248], sizes = [16, 128], strides = [1, 1]} : vector<16x32768xf32> to vector<16x128xf32>
    %slice3A_65 = vector.extract_strided_slice %get3A_1 {offsets = [0, 5376], sizes = [16, 128], strides = [1, 1]} : vector<16x32768xf32> to vector<16x128xf32>
    %slice3A_66 = vector.extract_strided_slice %get3A_1 {offsets = [0, 5504], sizes = [16, 128], strides = [1, 1]} : vector<16x32768xf32> to vector<16x128xf32>
    %slice3A_67 = vector.extract_strided_slice %get3A_1 {offsets = [0, 5632], sizes = [16, 128], strides = [1, 1]} : vector<16x32768xf32> to vector<16x128xf32>
    %slice3A_68 = vector.extract_strided_slice %get3A_1 {offsets = [0, 5760], sizes = [16, 128], strides = [1, 1]} : vector<16x32768xf32> to vector<16x128xf32>
    %slice3A_69 = vector.extract_strided_slice %get3A_1 {offsets = [0, 5888], sizes = [16, 128], strides = [1, 1]} : vector<16x32768xf32> to vector<16x128xf32>
    %slice3A_70 = vector.extract_strided_slice %get3A_1 {offsets = [0, 6016], sizes = [16, 128], strides = [1, 1]} : vector<16x32768xf32> to vector<16x128xf32>
    %concatenate3A_71 = tpu.concatenate %slice3A_63, %slice3A_64, %slice3A_65, %slice3A_66, %slice3A_67, %slice3A_68, %slice3A_69, %slice3A_70 in 0 : vector<16x128xf32>, vector<16x128xf32>, vector<16x128xf32>, vector<16x128xf32>, vector<16x128xf32>, vector<16x128xf32>, vector<16x128xf32>, vector<16x128xf32> -> vector<128x128xf32>
    %transpose3A_72 = tpu.transpose %concatenate3A_71, [1, 0] : vector<128x128xf32> -> vector<128x128xf32>
    %swap3A_73 = arith.constant 640 : index
    %swap3A_74 = arith.constant 0 : index
    %swap3A_75 = vector.load %arg2[%swap3A_73, %swap3A_74] : memref<4096x128xf32, #tpu.memory_space<vmem>>, vector<128x128xf32>
    tpu.vector_store %arg2[%swap3A_73, %swap3A_74], %transpose3A_72 {strides = array<i32>} : memref<4096x128xf32, #tpu.memory_space<vmem>>, vector<128x128xf32>,
    %slice3A_76 = vector.extract_strided_slice %get3A_1 {offsets = [0, 6144], sizes = [16, 128], strides = [1, 1]} : vector<16x32768xf32> to vector<16x128xf32>
    %slice3A_77 = vector.extract_strided_slice %get3A_1 {offsets = [0, 6272], sizes = [16, 128], strides = [1, 1]} : vector<16x32768xf32> to vector<16x128xf32>
    %slice3A_78 = vector.extract_strided_slice %get3A_1 {offsets = [0, 6400], sizes = [16, 128], strides = [1, 1]} : vector<16x32768xf32> to vector<16x128xf32>
    %slice3A_79 = vector.extract_strided_slice %get3A_1 {offsets = [0, 6528], sizes = [16, 128], strides = [1, 1]} : vector<16x32768xf32> to vector<16x128xf32>
    %slice3A_80 = vector.extract_strided_slice %get3A_1 {offsets = [0, 6656], sizes = [16, 128], strides = [1, 1]} : vector<16x32768xf32> to vector<16x128xf32>
    %slice3A_81 = vector.extract_strided_slice %get3A_1 {offsets = [0, 6784], sizes = [16, 128], strides = [1, 1]} : vector<16x32768xf32> to vector<16x128xf32>
    %slice3A_82 = vector.extract_strided_slice %get3A_1 {offsets = [0, 6912], sizes = [16, 128], strides = [1, 1]} : vector<16x32768xf32> to vector<16x128xf32>
    %slice3A_83 = vector.extract_strided_slice %get3A_1 {offsets = [0, 7040], sizes = [16, 128], strides = [1, 1]} : vector<16x32768xf32> to vector<16x128xf32>
    %concatenate3A_84 = tpu.concatenate %slice3A_76, %slice3A_77, %slice3A_78, %slice3A_79, %slice3A_80, %slice3A_81, %slice3A_82, %slice3A_83 in 0 : vector<16x128xf32>, vector<16x128xf32>, vector<16x128xf32>, vector<16x128xf32>, vector<16x128xf32>, vector<16x128xf32>, vector<16x128xf32>, vector<16x128xf32> -> vector<128x128xf32>
    %transpose3A_85 = tpu.transpose %concatenate3A_84, [1, 0] : vector<128x128xf32> -> vector<128x128xf32>
    %swap3A_86 = arith.constant 768 : index
    %swap3A_87 = arith.constant 0 : index
    %swap3A_88 = vector.load %arg2[%swap3A_86, %swap3A_87] : memref<4096x128xf32, #tpu.memory_space<vmem>>, vector<128x128xf32>
    tpu.vector_store %arg2[%swap3A_86, %swap3A_87], %transpose3A_85 {strides = array<i32>} : memref<4096x128xf32, #tpu.memory_space<vmem>>, vector<128x128xf32>,
    %slice3A_89 = vector.extract_strided_slice %get3A_1 {offsets = [0, 7168], sizes = [16, 128], strides = [1, 1]} : vector<16x32768xf32> to vector<16x128xf32>
    %slice3A_90 = vector.extract_strided_slice %get3A_1 {offsets = [0, 7296], sizes = [16, 128], strides = [1, 1]} : vector<16x32768xf32> to vector<16x128xf32>
    %slice3A_91 = vector.extract_strided_slice %get3A_1 {offsets = [0, 7424], sizes = [16, 128], strides = [1, 1]} : vector<16x32768xf32> to vector<16x128xf32>
    %slice3A_92 = vector.extract_strided_slice %get3A_1 {offsets = [0, 7552], sizes = [16, 128], strides = [1, 1]} : vector<16x32768xf32> to vector<16x128xf32>
    %slice3A_93 = vector.extract_strided_slice %get3A_1 {offsets = [0, 7680], sizes = [16, 128], strides = [1, 1]} : vector<16x32768xf32> to vector<16x128xf32>
    %slice3A_94 = vector.extract_strided_slice %get3A_1 {offsets = [0, 7808], sizes = [16, 128], strides = [1, 1]} : vector<16x32768xf32> to vector<16x128xf32>
    %slice3A_95 = vector.extract_strided_slice %get3A_1 {offsets = [0, 7936], sizes = [16, 128], strides = [1, 1]} : vector<16x32768xf32> to vector<16x128xf32>
    %slice3A_96 = vector.extract_strided_slice %get3A_1 {offsets = [0, 8064], sizes = [16, 128], strides = [1, 1]} : vector<16x32768xf32> to vector<16x128xf32>
    %concatenate3A_97 = tpu.concatenate %slice3A_89, %slice3A_90, %slice3A_91, %slice3A_92, %slice3A_93, %slice3A_94, %slice3A_95, %slice3A_96 in 0 : vector<16x128xf32>, vector<16x128xf32>, vector<16x128xf32>, vector<16x128xf32>, vector<16x128xf32>, vector<16x128xf32>, vector<16x128xf32>, vector<16x128xf32> -> vector<128x128xf32>
    %transpose3A_98 = tpu.transpose %concatenate3A_97, [1, 0] : vector<128x128xf32> -> vector<128x128xf32>
    %swap3A_99 = arith.constant 896 : index
    %swap3A_100 = arith.constant 0 : index
    %swap3A_101 = vector.load %arg2[%swap3A_99, %swap3A_100] : memref<4096x128xf32, #tpu.memory_space<vmem>>, vector<128x128xf32>
    tpu.vector_store %arg2[%swap3A_99, %swap3A_100], %transpose3A_98 {strides = array<i32>} : memref<4096x128xf32, #tpu.memory_space<vmem>>, vector<128x128xf32>,
    %slice3A_102 = vector.extract_strided_slice %get3A_1 {offsets = [0, 8192], sizes = [16, 128], strides = [1, 1]} : vector<16x32768xf32> to vector<16x128xf32>
    %slice3A_103 = vector.extract_strided_slice %get3A_1 {offsets = [0, 8320], sizes = [16, 128], strides = [1, 1]} : vector<16x32768xf32> to vector<16x128xf32>
    %slice3A_104 = vector.extract_strided_slice %get3A_1 {offsets = [0, 8448], sizes = [16, 128], strides = [1, 1]} : vector<16x32768xf32> to vector<16x128xf32>
    %slice3A_105 = vector.extract_strided_slice %get3A_1 {offsets = [0, 8576], sizes = [16, 128], strides = [1, 1]} : vector<16x32768xf32> to vector<16x128xf32>
    %slice3A_106 = vector.extract_strided_slice %get3A_1 {offsets = [0, 8704], sizes = [16, 128], strides = [1, 1]} : vector<16x32768xf32> to vector<16x128xf32>
    %slice3A_107 = vector.extract_strided_slice %get3A_1 {offsets = [0, 8832], sizes = [16, 128], strides = [1, 1]} : vector<16x32768xf32> to vector<16x128xf32>
    %slice3A_108 = vector.extract_strided_slice %get3A_1 {offsets = [0, 8960], sizes = [16, 128], strides = [1, 1]} : vector<16x32768xf32> to vector<16x128xf32>
    %slice3A_109 = vector.extract_strided_slice %get3A_1 {offsets = [0, 9088], sizes = [16, 128], strides = [1, 1]} : vector<16x32768xf32> to vector<16x128xf32>
    %concatenate3A_110 = tpu.concatenate %slice3A_102, %slice3A_103, %slice3A_104, %slice3A_105, %slice3A_106, %slice3A_107, %slice3A_108, %slice3A_109 in 0 : vector<16x128xf32>, vector<16x128xf32>, vector<16x128xf32>, vector<16x128xf32>, vector<16x128xf32>, vector<16x128xf32>, vector<16x128xf32>, vector<16x128xf32> -> vector<128x128xf32>
    %transpose3A_111 = tpu.transpose %concatenate3A_110, [1, 0] : vector<128x128xf32> -> vector<128x128xf32>
    %swap3A_112 = arith.constant 1024 : index
    %swap3A_113 = arith.constant 0 : index
    %swap3A_114 = vector.load %arg2[%swap3A_112, %swap3A_113] : memref<4096x128xf32, #tpu.memory_space<vmem>>, vector<128x128xf32>
    tpu.vector_store %arg2[%swap3A_112, %swap3A_113], %transpose3A_111 {strides = array<i32>} : memref<4096x128xf32, #tpu.memory_space<vmem>>, vector<128x128xf32>,
    %slice3A_115 = vector.extract_strided_slice %get3A_1 {offsets = [0, 9216], sizes = [16, 128], strides = [1, 1]} : vector<16x32768xf32> to vector<16x128xf32>
    %slice3A_116 = vector.extract_strided_slice %get3A_1 {offsets = [0, 9344], sizes = [16, 128], strides = [1, 1]} : vector<16x32768xf32> to vector<16x128xf32>
    %slice3A_117 = vector.extract_strided_slice %get3A_1 {offsets = [0, 9472], sizes = [16, 128], strides = [1, 1]} : vector<16x32768xf32> to vector<16x128xf32>
    %slice3A_118 = vector.extract_strided_slice %get3A_1 {offsets = [0, 9600], sizes = [16, 128], strides = [1, 1]} : vector<16x32768xf32> to vector<16x128xf32>
    %slice3A_119 = vector.extract_strided_slice %get3A_1 {offsets = [0, 9728], sizes = [16, 128], strides = [1, 1]} : vector<16x32768xf32> to vector<16x128xf32>
    %slice3A_120 = vector.extract_strided_slice %get3A_1 {offsets = [0, 9856], sizes = [16, 128], strides = [1, 1]} : vector<16x32768xf32> to vector<16x128xf32>
    %slice3A_121 = vector.extract_strided_slice %get3A_1 {offsets = [0, 9984], sizes = [16, 128], strides = [1, 1]} : vector<16x32768xf32> to vector<16x128xf32>
    %slice3A_122 = vector.extract_strided_slice %get3A_1 {offsets = [0, 10112], sizes = [16, 128], strides = [1, 1]} : vector<16x32768xf32> to vector<16x128xf32>
    %concatenate3A_123 = tpu.concatenate %slice3A_115, %slice3A_116, %slice3A_117, %slice3A_118, %slice3A_119, %slice3A_120, %slice3A_121, %slice3A_122 in 0 : vector<16x128xf32>, vector<16x128xf32>, vector<16x128xf32>, vector<16x128xf32>, vector<16x128xf32>, vector<16x128xf32>, vector<16x128xf32>, vector<16x128xf32> -> vector<128x128xf32>
    %transpose3A_124 = tpu.transpose %concatenate3A_123, [1, 0] : vector<128x128xf32> -> vector<128x128xf32>
    %swap3A_125 = arith.constant 1152 : index
    %swap3A_126 = arith.constant 0 : index
    %swap3A_127 = vector.load %arg2[%swap3A_125, %swap3A_126] : memref<4096x128xf32, #tpu.memory_space<vmem>>, vector<128x128xf32>
    tpu.vector_store %arg2[%swap3A_125, %swap3A_126], %transpose3A_124 {strides = array<i32>} : memref<4096x128xf32, #tpu.memory_space<vmem>>, vector<128x128xf32>,
    %slice3A_128 = vector.extract_strided_slice %get3A_1 {offsets = [0, 10240], sizes = [16, 128], strides = [1, 1]} : vector<16x32768xf32> to vector<16x128xf32>
    %slice3A_129 = vector.extract_strided_slice %get3A_1 {offsets = [0, 10368], sizes = [16, 128], strides = [1, 1]} : vector<16x32768xf32> to vector<16x128xf32>
    %slice3A_130 = vector.extract_strided_slice %get3A_1 {offsets = [0, 10496], sizes = [16, 128], strides = [1, 1]} : vector<16x32768xf32> to vector<16x128xf32>
    %slice3A_131 = vector.extract_strided_slice %get3A_1 {offsets = [0, 10624], sizes = [16, 128], strides = [1, 1]} : vector<16x32768xf32> to vector<16x128xf32>
    %slice3A_132 = vector.extract_strided_slice %get3A_1 {offsets = [0, 10752], sizes = [16, 128], strides = [1, 1]} : vector<16x32768xf32> to vector<16x128xf32>
    %slice3A_133 = vector.extract_strided_slice %get3A_1 {offsets = [0, 10880], sizes = [16, 128], strides = [1, 1]} : vector<16x32768xf32> to vector<16x128xf32>
    %slice3A_134 = vector.extract_strided_slice %get3A_1 {offsets = [0, 11008], sizes = [16, 128], strides = [1, 1]} : vector<16x32768xf32> to vector<16x128xf32>
    %slice3A_135 = vector.extract_strided_slice %get3A_1 {offsets = [0, 11136], sizes = [16, 128], strides = [1, 1]} : vector<16x32768xf32> to vector<16x128xf32>
    %concatenate3A_136 = tpu.concatenate %slice3A_128, %slice3A_129, %slice3A_130, %slice3A_131, %slice3A_132, %slice3A_133, %slice3A_134, %slice3A_135 in 0 : vector<16x128xf32>, vector<16x128xf32>, vector<16x128xf32>, vector<16x128xf32>, vector<16x128xf32>, vector<16x128xf32>, vector<16x128xf32>, vector<16x128xf32> -> vector<128x128xf32>
    %transpose3A_137 = tpu.transpose %concatenate3A_136, [1, 0] : vector<128x128xf32> -> vector<128x128xf32>
    %swap3A_138 = arith.constant 1280 : index
    %swap3A_139 = arith.constant 0 : index
    %swap3A_140 = vector.load %arg2[%swap3A_138, %swap3A_139] : memref<4096x128xf32, #tpu.memory_space<vmem>>, vector<128x128xf32>
    tpu.vector_store %arg2[%swap3A_138, %swap3A_139], %transpose3A_137 {strides = array<i32>} : memref<4096x128xf32, #tpu.memory_space<vmem>>, vector<128x128xf32>,
    %slice3A_141 = vector.extract_strided_slice %get3A_1 {offsets = [0, 11264], sizes = [16, 128], strides = [1, 1]} : vector<16x32768xf32> to vector<16x128xf32>
    %slice3A_142 = vector.extract_strided_slice %get3A_1 {offsets = [0, 11392], sizes = [16, 128], strides = [1, 1]} : vector<16x32768xf32> to vector<16x128xf32>
    %slice3A_143 = vector.extract_strided_slice %get3A_1 {offsets = [0, 11520], sizes = [16, 128], strides = [1, 1]} : vector<16x32768xf32> to vector<16x128xf32>
    %slice3A_144 = vector.extract_strided_slice %get3A_1 {offsets = [0, 11648], sizes = [16, 128], strides = [1, 1]} : vector<16x32768xf32> to vector<16x128xf32>
    %slice3A_145 = vector.extract_strided_slice %get3A_1 {offsets = [0, 11776], sizes = [16, 128], strides = [1, 1]} : vector<16x32768xf32> to vector<16x128xf32>
    %slice3A_146 = vector.extract_strided_slice %get3A_1 {offsets = [0, 11904], sizes = [16, 128], strides = [1, 1]} : vector<16x32768xf32> to vector<16x128xf32>
    %slice3A_147 = vector.extract_strided_slice %get3A_1 {offsets = [0, 12032], sizes = [16, 128], strides = [1, 1]} : vector<16x32768xf32> to vector<16x128xf32>
    %slice3A_148 = vector.extract_strided_slice %get3A_1 {offsets = [0, 12160], sizes = [16, 128], strides = [1, 1]} : vector<16x32768xf32> to vector<16x128xf32>
    %concatenate3A_149 = tpu.concatenate %slice3A_141, %slice3A_142, %slice3A_143, %slice3A_144, %slice3A_145, %slice3A_146, %slice3A_147, %slice3A_148 in 0 : vector<16x128xf32>, vector<16x128xf32>, vector<16x128xf32>, vector<16x128xf32>, vector<16x128xf32>, vector<16x128xf32>, vector<16x128xf32>, vector<16x128xf32> -> vector<128x128xf32>
    %transpose3A_150 = tpu.transpose %concatenate3A_149, [1, 0] : vector<128x128xf32> -> vector<128x128xf32>
    %swap3A_151 = arith.constant 1408 : index
    %swap3A_152 = arith.constant 0 : index
    %swap3A_153 = vector.load %arg2[%swap3A_151, %swap3A_152] : memref<4096x128xf32, #tpu.memory_space<vmem>>, vector<128x128xf32>
    tpu.vector_store %arg2[%swap3A_151, %swap3A_152], %transpose3A_150 {strides = array<i32>} : memref<4096x128xf32, #tpu.memory_space<vmem>>, vector<128x128xf32>,
    %slice3A_154 = vector.extract_strided_slice %get3A_1 {offsets = [0, 12288], sizes = [16, 128], strides = [1, 1]} : vector<16x32768xf32> to vector<16x128xf32>
    %slice3A_155 = vector.extract_strided_slice %get3A_1 {offsets = [0, 12416], sizes = [16, 128], strides = [1, 1]} : vector<16x32768xf32> to vector<16x128xf32>
    %slice3A_156 = vector.extract_strided_slice %get3A_1 {offsets = [0, 12544], sizes = [16, 128], strides = [1, 1]} : vector<16x32768xf32> to vector<16x128xf32>
    %slice3A_157 = vector.extract_strided_slice %get3A_1 {offsets = [0, 12672], sizes = [16, 128], strides = [1, 1]} : vector<16x32768xf32> to vector<16x128xf32>
    %slice3A_158 = vector.extract_strided_slice %get3A_1 {offsets = [0, 12800], sizes = [16, 128], strides = [1, 1]} : vector<16x32768xf32> to vector<16x128xf32>
    %slice3A_159 = vector.extract_strided_slice %get3A_1 {offsets = [0, 12928], sizes = [16, 128], strides = [1, 1]} : vector<16x32768xf32> to vector<16x128xf32>
    %slice3A_160 = vector.extract_strided_slice %get3A_1 {offsets = [0, 13056], sizes = [16, 128], strides = [1, 1]} : vector<16x32768xf32> to vector<16x128xf32>
    %slice3A_161 = vector.extract_strided_slice %get3A_1 {offsets = [0, 13184], sizes = [16, 128], strides = [1, 1]} : vector<16x32768xf32> to vector<16x128xf32>
    %concatenate3A_162 = tpu.concatenate %slice3A_154, %slice3A_155, %slice3A_156, %slice3A_157, %slice3A_158, %slice3A_159, %slice3A_160, %slice3A_161 in 0 : vector<16x128xf32>, vector<16x128xf32>, vector<16x128xf32>, vector<16x128xf32>, vector<16x128xf32>, vector<16x128xf32>, vector<16x128xf32>, vector<16x128xf32> -> vector<128x128xf32>
    %transpose3A_163 = tpu.transpose %concatenate3A_162, [1, 0] : vector<128x128xf32> -> vector<128x128xf32>
    %swap3A_164 = arith.constant 1536 : index
    %swap3A_165 = arith.constant 0 : index
    %swap3A_166 = vector.load %arg2[%swap3A_164, %swap3A_165] : memref<4096x128xf32, #tpu.memory_space<vmem>>, vector<128x128xf32>
    tpu.vector_store %arg2[%swap3A_164, %swap3A_165], %transpose3A_163 {strides = array<i32>} : memref<4096x128xf32, #tpu.memory_space<vmem>>, vector<128x128xf32>,
    %slice3A_167 = vector.extract_strided_slice %get3A_1 {offsets = [0, 13312], sizes = [16, 128], strides = [1, 1]} : vector<16x32768xf32> to vector<16x128xf32>
    %slice3A_168 = vector.extract_strided_slice %get3A_1 {offsets = [0, 13440], sizes = [16, 128], strides = [1, 1]} : vector<16x32768xf32> to vector<16x128xf32>
    %slice3A_169 = vector.extract_strided_slice %get3A_1 {offsets = [0, 13568], sizes = [16, 128], strides = [1, 1]} : vector<16x32768xf32> to vector<16x128xf32>
    %slice3A_170 = vector.extract_strided_slice %get3A_1 {offsets = [0, 13696], sizes = [16, 128], strides = [1, 1]} : vector<16x32768xf32> to vector<16x128xf32>
    %slice3A_171 = vector.extract_strided_slice %get3A_1 {offsets = [0, 13824], sizes = [16, 128], strides = [1, 1]} : vector<16x32768xf32> to vector<16x128xf32>
    %slice3A_172 = vector.extract_strided_slice %get3A_1 {offsets = [0, 13952], sizes = [16, 128], strides = [1, 1]} : vector<16x32768xf32> to vector<16x128xf32>
    %slice3A_173 = vector.extract_strided_slice %get3A_1 {offsets = [0, 14080], sizes = [16, 128], strides = [1, 1]} : vector<16x32768xf32> to vector<16x128xf32>
    %slice3A_174 = vector.extract_strided_slice %get3A_1 {offsets = [0, 14208], sizes = [16, 128], strides = [1, 1]} : vector<16x32768xf32> to vector<16x128xf32>
    %concatenate3A_175 = tpu.concatenate %slice3A_167, %slice3A_168, %slice3A_169, %slice3A_170, %slice3A_171, %slice3A_172, %slice3A_173, %slice3A_174 in 0 : vector<16x128xf32>, vector<16x128xf32>, vector<16x128xf32>, vector<16x128xf32>, vector<16x128xf32>, vector<16x128xf32>, vector<16x128xf32>, vector<16x128xf32> -> vector<128x128xf32>
    %transpose3A_176 = tpu.transpose %concatenate3A_175, [1, 0] : vector<128x128xf32> -> vector<128x128xf32>
    %swap3A_177 = arith.constant 1664 : index
    %swap3A_178 = arith.constant 0 : index
    %swap3A_179 = vector.load %arg2[%swap3A_177, %swap3A_178] : memref<4096x128xf32, #tpu.memory_space<vmem>>, vector<128x128xf32>
    tpu.vector_store %arg2[%swap3A_177, %swap3A_178], %transpose3A_176 {strides = array<i32>} : memref<4096x128xf32, #tpu.memory_space<vmem>>, vector<128x128xf32>,
    %slice3A_180 = vector.extract_strided_slice %get3A_1 {offsets = [0, 14336], sizes = [16, 128], strides = [1, 1]} : vector<16x32768xf32> to vector<16x128xf32>
    %slice3A_181 = vector.extract_strided_slice %get3A_1 {offsets = [0, 14464], sizes = [16, 128], strides = [1, 1]} : vector<16x32768xf32> to vector<16x128xf32>
    %slice3A_182 = vector.extract_strided_slice %get3A_1 {offsets = [0, 14592], sizes = [16, 128], strides = [1, 1]} : vector<16x32768xf32> to vector<16x128xf32>
    %slice3A_183 = vector.extract_strided_slice %get3A_1 {offsets = [0, 14720], sizes = [16, 128], strides = [1, 1]} : vector<16x32768xf32> to vector<16x128xf32>
    %slice3A_184 = vector.extract_strided_slice %get3A_1 {offsets = [0, 14848], sizes = [16, 128], strides = [1, 1]} : vector<16x32768xf32> to vector<16x128xf32>
    %slice3A_185 = vector.extract_strided_slice %get3A_1 {offsets = [0, 14976], sizes = [16, 128], strides = [1, 1]} : vector<16x32768xf32> to vector<16x128xf32>
    %slice3A_186 = vector.extract_strided_slice %get3A_1 {offsets = [0, 15104], sizes = [16, 128], strides = [1, 1]} : vector<16x32768xf32> to vector<16x128xf32>
    %slice3A_187 = vector.extract_strided_slice %get3A_1 {offsets = [0, 15232], sizes = [16, 128], strides = [1, 1]} : vector<16x32768xf32> to vector<16x128xf32>
    %concatenate3A_188 = tpu.concatenate %slice3A_180, %slice3A_181, %slice3A_182, %slice3A_183, %slice3A_184, %slice3A_185, %slice3A_186, %slice3A_187 in 0 : vector<16x128xf32>, vector<16x128xf32>, vector<16x128xf32>, vector<16x128xf32>, vector<16x128xf32>, vector<16x128xf32>, vector<16x128xf32>, vector<16x128xf32> -> vector<128x128xf32>
    %transpose3A_189 = tpu.transpose %concatenate3A_188, [1, 0] : vector<128x128xf32> -> vector<128x128xf32>
    %swap3A_190 = arith.constant 1792 : index
    %swap3A_191 = arith.constant 0 : index
    %swap3A_192 = vector.load %arg2[%swap3A_190, %swap3A_191] : memref<4096x128xf32, #tpu.memory_space<vmem>>, vector<128x128xf32>
    tpu.vector_store %arg2[%swap3A_190, %swap3A_191], %transpose3A_189 {strides = array<i32>} : memref<4096x128xf32, #tpu.memory_space<vmem>>, vector<128x128xf32>,
    %slice3A_193 = vector.extract_strided_slice %get3A_1 {offsets = [0, 15360], sizes = [16, 128], strides = [1, 1]} : vector<16x32768xf32> to vector<16x128xf32>
    %slice3A_194 = vector.extract_strided_slice %get3A_1 {offsets = [0, 15488], sizes = [16, 128], strides = [1, 1]} : vector<16x32768xf32> to vector<16x128xf32>
    %slice3A_195 = vector.extract_strided_slice %get3A_1 {offsets = [0, 15616], sizes = [16, 128], strides = [1, 1]} : vector<16x32768xf32> to vector<16x128xf32>
    %slice3A_196 = vector.extract_strided_slice %get3A_1 {offsets = [0, 15744], sizes = [16, 128], strides = [1, 1]} : vector<16x32768xf32> to vector<16x128xf32>
    %slice3A_197 = vector.extract_strided_slice %get3A_1 {offsets = [0, 15872], sizes = [16, 128], strides = [1, 1]} : vector<16x32768xf32> to vector<16x128xf32>
    %slice3A_198 = vector.extract_strided_slice %get3A_1 {offsets = [0, 16000], sizes = [16, 128], strides = [1, 1]} : vector<16x32768xf32> to vector<16x128xf32>
    %slice3A_199 = vector.extract_strided_slice %get3A_1 {offsets = [0, 16128], sizes = [16, 128], strides = [1, 1]} : vector<16x32768xf32> to vector<16x128xf32>
    %slice3A_200 = vector.extract_strided_slice %get3A_1 {offsets = [0, 16256], sizes = [16, 128], strides = [1, 1]} : vector<16x32768xf32> to vector<16x128xf32>
    %concatenate3A_201 = tpu.concatenate %slice3A_193, %slice3A_194, %slice3A_195, %slice3A_196, %slice3A_197, %slice3A_198, %slice3A_199, %slice3A_200 in 0 : vector<16x128xf32>, vector<16x128xf32>, vector<16x128xf32>, vector<16x128xf32>, vector<16x128xf32>, vector<16x128xf32>, vector<16x128xf32>, vector<16x128xf32> -> vector<128x128xf32>
    %transpose3A_202 = tpu.transpose %concatenate3A_201, [1, 0] : vector<128x128xf32> -> vector<128x128xf32>
    %swap3A_203 = arith.constant 1920 : index
    %swap3A_204 = arith.constant 0 : index
    %swap3A_205 = vector.load %arg2[%swap3A_203, %swap3A_204] : memref<4096x128xf32, #tpu.memory_space<vmem>>, vector<128x128xf32>
    tpu.vector_store %arg2[%swap3A_203, %swap3A_204], %transpose3A_202 {strides = array<i32>} : memref<4096x128xf32, #tpu.memory_space<vmem>>, vector<128x128xf32>,
    %slice3A_206 = vector.extract_strided_slice %get3A_1 {offsets = [0, 16384], sizes = [16, 128], strides = [1, 1]} : vector<16x32768xf32> to vector<16x128xf32>
    %slice3A_207 = vector.extract_strided_slice %get3A_1 {offsets = [0, 16512], sizes = [16, 128], strides = [1, 1]} : vector<16x32768xf32> to vector<16x128xf32>
    %slice3A_208 = vector.extract_strided_slice %get3A_1 {offsets = [0, 16640], sizes = [16, 128], strides = [1, 1]} : vector<16x32768xf32> to vector<16x128xf32>
    %slice3A_209 = vector.extract_strided_slice %get3A_1 {offsets = [0, 16768], sizes = [16, 128], strides = [1, 1]} : vector<16x32768xf32> to vector<16x128xf32>
    %slice3A_210 = vector.extract_strided_slice %get3A_1 {offsets = [0, 16896], sizes = [16, 128], strides = [1, 1]} : vector<16x32768xf32> to vector<16x128xf32>
    %slice3A_211 = vector.extract_strided_slice %get3A_1 {offsets = [0, 17024], sizes = [16, 128], strides = [1, 1]} : vector<16x32768xf32> to vector<16x128xf32>
    %slice3A_212 = vector.extract_strided_slice %get3A_1 {offsets = [0, 17152], sizes = [16, 128], strides = [1, 1]} : vector<16x32768xf32> to vector<16x128xf32>
    %slice3A_213 = vector.extract_strided_slice %get3A_1 {offsets = [0, 17280], sizes = [16, 128], strides = [1, 1]} : vector<16x32768xf32> to vector<16x128xf32>
    %concatenate3A_214 = tpu.concatenate %slice3A_206, %slice3A_207, %slice3A_208, %slice3A_209, %slice3A_210, %slice3A_211, %slice3A_212, %slice3A_213 in 0 : vector<16x128xf32>, vector<16x128xf32>, vector<16x128xf32>, vector<16x128xf32>, vector<16x128xf32>, vector<16x128xf32>, vector<16x128xf32>, vector<16x128xf32> -> vector<128x128xf32>
    %transpose3A_215 = tpu.transpose %concatenate3A_214, [1, 0] : vector<128x128xf32> -> vector<128x128xf32>
    %swap3A_216 = arith.constant 2048 : index
    %swap3A_217 = arith.constant 0 : index
    %swap3A_218 = vector.load %arg2[%swap3A_216, %swap3A_217] : memref<4096x128xf32, #tpu.memory_space<vmem>>, vector<128x128xf32>
    tpu.vector_store %arg2[%swap3A_216, %swap3A_217], %transpose3A_215 {strides = array<i32>} : memref<4096x128xf32, #tpu.memory_space<vmem>>, vector<128x128xf32>,
    %slice3A_219 = vector.extract_strided_slice %get3A_1 {offsets = [0, 17408], sizes = [16, 128], strides = [1, 1]} : vector<16x32768xf32> to vector<16x128xf32>
    %slice3A_220 = vector.extract_strided_slice %get3A_1 {offsets = [0, 17536], sizes = [16, 128], strides = [1, 1]} : vector<16x32768xf32> to vector<16x128xf32>
    %slice3A_221 = vector.extract_strided_slice %get3A_1 {offsets = [0, 17664], sizes = [16, 128], strides = [1, 1]} : vector<16x32768xf32> to vector<16x128xf32>
    %slice3A_222 = vector.extract_strided_slice %get3A_1 {offsets = [0, 17792], sizes = [16, 128], strides = [1, 1]} : vector<16x32768xf32> to vector<16x128xf32>
    %slice3A_223 = vector.extract_strided_slice %get3A_1 {offsets = [0, 17920], sizes = [16, 128], strides = [1, 1]} : vector<16x32768xf32> to vector<16x128xf32>
    %slice3A_224 = vector.extract_strided_slice %get3A_1 {offsets = [0, 18048], sizes = [16, 128], strides = [1, 1]} : vector<16x32768xf32> to vector<16x128xf32>
    %slice3A_225 = vector.extract_strided_slice %get3A_1 {offsets = [0, 18176], sizes = [16, 128], strides = [1, 1]} : vector<16x32768xf32> to vector<16x128xf32>
    %slice3A_226 = vector.extract_strided_slice %get3A_1 {offsets = [0, 18304], sizes = [16, 128], strides = [1, 1]} : vector<16x32768xf32> to vector<16x128xf32>
    %concatenate3A_227 = tpu.concatenate %slice3A_219, %slice3A_220, %slice3A_221, %slice3A_222, %slice3A_223, %slice3A_224, %slice3A_225, %slice3A_226 in 0 : vector<16x128xf32>, vector<16x128xf32>, vector<16x128xf32>, vector<16x128xf32>, vector<16x128xf32>, vector<16x128xf32>, vector<16x128xf32>, vector<16x128xf32> -> vector<128x128xf32>
    %transpose3A_228 = tpu.transpose %concatenate3A_227, [1, 0] : vector<128x128xf32> -> vector<128x128xf32>
    %swap3A_229 = arith.constant 2176 : index
    %swap3A_230 = arith.constant 0 : index
    %swap3A_231 = vector.load %arg2[%swap3A_229, %swap3A_230] : memref<4096x128xf32, #tpu.memory_space<vmem>>, vector<128x128xf32>
    tpu.vector_store %arg2[%swap3A_229, %swap3A_230], %transpose3A_228 {strides = array<i32>} : memref<4096x128xf32, #tpu.memory_space<vmem>>, vector<128x128xf32>,
    %slice3A_232 = vector.extract_strided_slice %get3A_1 {offsets = [0, 18432], sizes = [16, 128], strides = [1, 1]} : vector<16x32768xf32> to vector<16x128xf32>
    %slice3A_233 = vector.extract_strided_slice %get3A_1 {offsets = [0, 18560], sizes = [16, 128], strides = [1, 1]} : vector<16x32768xf32> to vector<16x128xf32>
    %slice3A_234 = vector.extract_strided_slice %get3A_1 {offsets = [0, 18688], sizes = [16, 128], strides = [1, 1]} : vector<16x32768xf32> to vector<16x128xf32>
    %slice3A_235 = vector.extract_strided_slice %get3A_1 {offsets = [0, 18816], sizes = [16, 128], strides = [1, 1]} : vector<16x32768xf32> to vector<16x128xf32>
    %slice3A_236 = vector.extract_strided_slice %get3A_1 {offsets = [0, 18944], sizes = [16, 128], strides = [1, 1]} : vector<16x32768xf32> to vector<16x128xf32>
    %slice3A_237 = vector.extract_strided_slice %get3A_1 {offsets = [0, 19072], sizes = [16, 128], strides = [1, 1]} : vector<16x32768xf32> to vector<16x128xf32>
    %slice3A_238 = vector.extract_strided_slice %get3A_1 {offsets = [0, 19200], sizes = [16, 128], strides = [1, 1]} : vector<16x32768xf32> to vector<16x128xf32>
    %slice3A_239 = vector.extract_strided_slice %get3A_1 {offsets = [0, 19328], sizes = [16, 128], strides = [1, 1]} : vector<16x32768xf32> to vector<16x128xf32>
    %concatenate3A_240 = tpu.concatenate %slice3A_232, %slice3A_233, %slice3A_234, %slice3A_235, %slice3A_236, %slice3A_237, %slice3A_238, %slice3A_239 in 0 : vector<16x128xf32>, vector<16x128xf32>, vector<16x128xf32>, vector<16x128xf32>, vector<16x128xf32>, vector<16x128xf32>, vector<16x128xf32>, vector<16x128xf32> -> vector<128x128xf32>
    %transpose3A_241 = tpu.transpose %concatenate3A_240, [1, 0] : vector<128x128xf32> -> vector<128x128xf32>
    %swap3A_242 = arith.constant 2304 : index
    %swap3A_243 = arith.constant 0 : index
    %swap3A_244 = vector.load %arg2[%swap3A_242, %swap3A_243] : memref<4096x128xf32, #tpu.memory_space<vmem>>, vector<128x128xf32>
    tpu.vector_store %arg2[%swap3A_242, %swap3A_243], %transpose3A_241 {strides = array<i32>} : memref<4096x128xf32, #tpu.memory_space<vmem>>, vector<128x128xf32>,
    %slice3A_245 = vector.extract_strided_slice %get3A_1 {offsets = [0, 19456], sizes = [16, 128], strides = [1, 1]} : vector<16x32768xf32> to vector<16x128xf32>
    %slice3A_246 = vector.extract_strided_slice %get3A_1 {offsets = [0, 19584], sizes = [16, 128], strides = [1, 1]} : vector<16x32768xf32> to vector<16x128xf32>
    %slice3A_247 = vector.extract_strided_slice %get3A_1 {offsets = [0, 19712], sizes = [16, 128], strides = [1, 1]} : vector<16x32768xf32> to vector<16x128xf32>
    %slice3A_248 = vector.extract_strided_slice %get3A_1 {offsets = [0, 19840], sizes = [16, 128], strides = [1, 1]} : vector<16x32768xf32> to vector<16x128xf32>
    %slice3A_249 = vector.extract_strided_slice %get3A_1 {offsets = [0, 19968], sizes = [16, 128], strides = [1, 1]} : vector<16x32768xf32> to vector<16x128xf32>
    %slice3A_250 = vector.extract_strided_slice %get3A_1 {offsets = [0, 20096], sizes = [16, 128], strides = [1, 1]} : vector<16x32768xf32> to vector<16x128xf32>
    %slice3A_251 = vector.extract_strided_slice %get3A_1 {offsets = [0, 20224], sizes = [16, 128], strides = [1, 1]} : vector<16x32768xf32> to vector<16x128xf32>
    %slice3A_252 = vector.extract_strided_slice %get3A_1 {offsets = [0, 20352], sizes = [16, 128], strides = [1, 1]} : vector<16x32768xf32> to vector<16x128xf32>
    %concatenate3A_253 = tpu.concatenate %slice3A_245, %slice3A_246, %slice3A_247, %slice3A_248, %slice3A_249, %slice3A_250, %slice3A_251, %slice3A_252 in 0 : vector<16x128xf32>, vector<16x128xf32>, vector<16x128xf32>, vector<16x128xf32>, vector<16x128xf32>, vector<16x128xf32>, vector<16x128xf32>, vector<16x128xf32> -> vector<128x128xf32>
    %transpose3A_254 = tpu.transpose %concatenate3A_253, [1, 0] : vector<128x128xf32> -> vector<128x128xf32>
    %swap3A_255 = arith.constant 2432 : index
    %swap3A_256 = arith.constant 0 : index
    %swap3A_257 = vector.load %arg2[%swap3A_255, %swap3A_256] : memref<4096x128xf32, #tpu.memory_space<vmem>>, vector<128x128xf32>
    tpu.vector_store %arg2[%swap3A_255, %swap3A_256], %transpose3A_254 {strides = array<i32>} : memref<4096x128xf32, #tpu.memory_space<vmem>>, vector<128x128xf32>,
    %slice3A_258 = vector.extract_strided_slice %get3A_1 {offsets = [0, 20480], sizes = [16, 128], strides = [1, 1]} : vector<16x32768xf32> to vector<16x128xf32>
    %slice3A_259 = vector.extract_strided_slice %get3A_1 {offsets = [0, 20608], sizes = [16, 128], strides = [1, 1]} : vector<16x32768xf32> to vector<16x128xf32>
    %slice3A_260 = vector.extract_strided_slice %get3A_1 {offsets = [0, 20736], sizes = [16, 128], strides = [1, 1]} : vector<16x32768xf32> to vector<16x128xf32>
    %slice3A_261 = vector.extract_strided_slice %get3A_1 {offsets = [0, 20864], sizes = [16, 128], strides = [1, 1]} : vector<16x32768xf32> to vector<16x128xf32>
    %slice3A_262 = vector.extract_strided_slice %get3A_1 {offsets = [0, 20992], sizes = [16, 128], strides = [1, 1]} : vector<16x32768xf32> to vector<16x128xf32>
    %slice3A_263 = vector.extract_strided_slice %get3A_1 {offsets = [0, 21120], sizes = [16, 128], strides = [1, 1]} : vector<16x32768xf32> to vector<16x128xf32>
    %slice3A_264 = vector.extract_strided_slice %get3A_1 {offsets = [0, 21248], sizes = [16, 128], strides = [1, 1]} : vector<16x32768xf32> to vector<16x128xf32>
    %slice3A_265 = vector.extract_strided_slice %get3A_1 {offsets = [0, 21376], sizes = [16, 128], strides = [1, 1]} : vector<16x32768xf32> to vector<16x128xf32>
    %concatenate3A_266 = tpu.concatenate %slice3A_258, %slice3A_259, %slice3A_260, %slice3A_261, %slice3A_262, %slice3A_263, %slice3A_264, %slice3A_265 in 0 : vector<16x128xf32>, vector<16x128xf32>, vector<16x128xf32>, vector<16x128xf32>, vector<16x128xf32>, vector<16x128xf32>, vector<16x128xf32>, vector<16x128xf32> -> vector<128x128xf32>
    %transpose3A_267 = tpu.transpose %concatenate3A_266, [1, 0] : vector<128x128xf32> -> vector<128x128xf32>
    %swap3A_268 = arith.constant 2560 : index
    %swap3A_269 = arith.constant 0 : index
    %swap3A_270 = vector.load %arg2[%swap3A_268, %swap3A_269] : memref<4096x128xf32, #tpu.memory_space<vmem>>, vector<128x128xf32>
    tpu.vector_store %arg2[%swap3A_268, %swap3A_269], %transpose3A_267 {strides = array<i32>} : memref<4096x128xf32, #tpu.memory_space<vmem>>, vector<128x128xf32>,
    %slice3A_271 = vector.extract_strided_slice %get3A_1 {offsets = [0, 21504], sizes = [16, 128], strides = [1, 1]} : vector<16x32768xf32> to vector<16x128xf32>
    %slice3A_272 = vector.extract_strided_slice %get3A_1 {offsets = [0, 21632], sizes = [16, 128], strides = [1, 1]} : vector<16x32768xf32> to vector<16x128xf32>
    %slice3A_273 = vector.extract_strided_slice %get3A_1 {offsets = [0, 21760], sizes = [16, 128], strides = [1, 1]} : vector<16x32768xf32> to vector<16x128xf32>
    %slice3A_274 = vector.extract_strided_slice %get3A_1 {offsets = [0, 21888], sizes = [16, 128], strides = [1, 1]} : vector<16x32768xf32> to vector<16x128xf32>
    %slice3A_275 = vector.extract_strided_slice %get3A_1 {offsets = [0, 22016], sizes = [16, 128], strides = [1, 1]} : vector<16x32768xf32> to vector<16x128xf32>
    %slice3A_276 = vector.extract_strided_slice %get3A_1 {offsets = [0, 22144], sizes = [16, 128], strides = [1, 1]} : vector<16x32768xf32> to vector<16x128xf32>
    %slice3A_277 = vector.extract_strided_slice %get3A_1 {offsets = [0, 22272], sizes = [16, 128], strides = [1, 1]} : vector<16x32768xf32> to vector<16x128xf32>
    %slice3A_278 = vector.extract_strided_slice %get3A_1 {offsets = [0, 22400], sizes = [16, 128], strides = [1, 1]} : vector<16x32768xf32> to vector<16x128xf32>
    %concatenate3A_279 = tpu.concatenate %slice3A_271, %slice3A_272, %slice3A_273, %slice3A_274, %slice3A_275, %slice3A_276, %slice3A_277, %slice3A_278 in 0 : vector<16x128xf32>, vector<16x128xf32>, vector<16x128xf32>, vector<16x128xf32>, vector<16x128xf32>, vector<16x128xf32>, vector<16x128xf32>, vector<16x128xf32> -> vector<128x128xf32>
    %transpose3A_280 = tpu.transpose %concatenate3A_279, [1, 0] : vector<128x128xf32> -> vector<128x128xf32>
    %swap3A_281 = arith.constant 2688 : index
    %swap3A_282 = arith.constant 0 : index
    %swap3A_283 = vector.load %arg2[%swap3A_281, %swap3A_282] : memref<4096x128xf32, #tpu.memory_space<vmem>>, vector<128x128xf32>
    tpu.vector_store %arg2[%swap3A_281, %swap3A_282], %transpose3A_280 {strides = array<i32>} : memref<4096x128xf32, #tpu.memory_space<vmem>>, vector<128x128xf32>,
    %slice3A_284 = vector.extract_strided_slice %get3A_1 {offsets = [0, 22528], sizes = [16, 128], strides = [1, 1]} : vector<16x32768xf32> to vector<16x128xf32>
    %slice3A_285 = vector.extract_strided_slice %get3A_1 {offsets = [0, 22656], sizes = [16, 128], strides = [1, 1]} : vector<16x32768xf32> to vector<16x128xf32>
    %slice3A_286 = vector.extract_strided_slice %get3A_1 {offsets = [0, 22784], sizes = [16, 128], strides = [1, 1]} : vector<16x32768xf32> to vector<16x128xf32>
    %slice3A_287 = vector.extract_strided_slice %get3A_1 {offsets = [0, 22912], sizes = [16, 128], strides = [1, 1]} : vector<16x32768xf32> to vector<16x128xf32>
    %slice3A_288 = vector.extract_strided_slice %get3A_1 {offsets = [0, 23040], sizes = [16, 128], strides = [1, 1]} : vector<16x32768xf32> to vector<16x128xf32>
    %slice3A_289 = vector.extract_strided_slice %get3A_1 {offsets = [0, 23168], sizes = [16, 128], strides = [1, 1]} : vector<16x32768xf32> to vector<16x128xf32>
    %slice3A_290 = vector.extract_strided_slice %get3A_1 {offsets = [0, 23296], sizes = [16, 128], strides = [1, 1]} : vector<16x32768xf32> to vector<16x128xf32>
    %slice3A_291 = vector.extract_strided_slice %get3A_1 {offsets = [0, 23424], sizes = [16, 128], strides = [1, 1]} : vector<16x32768xf32> to vector<16x128xf32>
    %concatenate3A_292 = tpu.concatenate %slice3A_284, %slice3A_285, %slice3A_286, %slice3A_287, %slice3A_288, %slice3A_289, %slice3A_290, %slice3A_291 in 0 : vector<16x128xf32>, vector<16x128xf32>, vector<16x128xf32>, vector<16x128xf32>, vector<16x128xf32>, vector<16x128xf32>, vector<16x128xf32>, vector<16x128xf32> -> vector<128x128xf32>
    %transpose3A_293 = tpu.transpose %concatenate3A_292, [1, 0] : vector<128x128xf32> -> vector<128x128xf32>
    %swap3A_294 = arith.constant 2816 : index
    %swap3A_295 = arith.constant 0 : index
    %swap3A_296 = vector.load %arg2[%swap3A_294, %swap3A_295] : memref<4096x128xf32, #tpu.memory_space<vmem>>, vector<128x128xf32>
    tpu.vector_store %arg2[%swap3A_294, %swap3A_295], %transpose3A_293 {strides = array<i32>} : memref<4096x128xf32, #tpu.memory_space<vmem>>, vector<128x128xf32>,
    %slice3A_297 = vector.extract_strided_slice %get3A_1 {offsets = [0, 23552], sizes = [16, 128], strides = [1, 1]} : vector<16x32768xf32> to vector<16x128xf32>
    %slice3A_298 = vector.extract_strided_slice %get3A_1 {offsets = [0, 23680], sizes = [16, 128], strides = [1, 1]} : vector<16x32768xf32> to vector<16x128xf32>
    %slice3A_299 = vector.extract_strided_slice %get3A_1 {offsets = [0, 23808], sizes = [16, 128], strides = [1, 1]} : vector<16x32768xf32> to vector<16x128xf32>
    %slice3A_300 = vector.extract_strided_slice %get3A_1 {offsets = [0, 23936], sizes = [16, 128], strides = [1, 1]} : vector<16x32768xf32> to vector<16x128xf32>
    %slice3A_301 = vector.extract_strided_slice %get3A_1 {offsets = [0, 24064], sizes = [16, 128], strides = [1, 1]} : vector<16x32768xf32> to vector<16x128xf32>
    %slice3A_302 = vector.extract_strided_slice %get3A_1 {offsets = [0, 24192], sizes = [16, 128], strides = [1, 1]} : vector<16x32768xf32> to vector<16x128xf32>
    %slice3A_303 = vector.extract_strided_slice %get3A_1 {offsets = [0, 24320], sizes = [16, 128], strides = [1, 1]} : vector<16x32768xf32> to vector<16x128xf32>
    %slice3A_304 = vector.extract_strided_slice %get3A_1 {offsets = [0, 24448], sizes = [16, 128], strides = [1, 1]} : vector<16x32768xf32> to vector<16x128xf32>
    %concatenate3A_305 = tpu.concatenate %slice3A_297, %slice3A_298, %slice3A_299, %slice3A_300, %slice3A_301, %slice3A_302, %slice3A_303, %slice3A_304 in 0 : vector<16x128xf32>, vector<16x128xf32>, vector<16x128xf32>, vector<16x128xf32>, vector<16x128xf32>, vector<16x128xf32>, vector<16x128xf32>, vector<16x128xf32> -> vector<128x128xf32>
    %transpose3A_306 = tpu.transpose %concatenate3A_305, [1, 0] : vector<128x128xf32> -> vector<128x128xf32>
    %swap3A_307 = arith.constant 2944 : index
    %swap3A_308 = arith.constant 0 : index
    %swap3A_309 = vector.load %arg2[%swap3A_307, %swap3A_308] : memref<4096x128xf32, #tpu.memory_space<vmem>>, vector<128x128xf32>
    tpu.vector_store %arg2[%swap3A_307, %swap3A_308], %transpose3A_306 {strides = array<i32>} : memref<4096x128xf32, #tpu.memory_space<vmem>>, vector<128x128xf32>,
    %slice3A_310 = vector.extract_strided_slice %get3A_1 {offsets = [0, 24576], sizes = [16, 128], strides = [1, 1]} : vector<16x32768xf32> to vector<16x128xf32>
    %slice3A_311 = vector.extract_strided_slice %get3A_1 {offsets = [0, 24704], sizes = [16, 128], strides = [1, 1]} : vector<16x32768xf32> to vector<16x128xf32>
    %slice3A_312 = vector.extract_strided_slice %get3A_1 {offsets = [0, 24832], sizes = [16, 128], strides = [1, 1]} : vector<16x32768xf32> to vector<16x128xf32>
    %slice3A_313 = vector.extract_strided_slice %get3A_1 {offsets = [0, 24960], sizes = [16, 128], strides = [1, 1]} : vector<16x32768xf32> to vector<16x128xf32>
    %slice3A_314 = vector.extract_strided_slice %get3A_1 {offsets = [0, 25088], sizes = [16, 128], strides = [1, 1]} : vector<16x32768xf32> to vector<16x128xf32>
    %slice3A_315 = vector.extract_strided_slice %get3A_1 {offsets = [0, 25216], sizes = [16, 128], strides = [1, 1]} : vector<16x32768xf32> to vector<16x128xf32>
    %slice3A_316 = vector.extract_strided_slice %get3A_1 {offsets = [0, 25344], sizes = [16, 128], strides = [1, 1]} : vector<16x32768xf32> to vector<16x128xf32>
    %slice3A_317 = vector.extract_strided_slice %get3A_1 {offsets = [0, 25472], sizes = [16, 128], strides = [1, 1]} : vector<16x32768xf32> to vector<16x128xf32>
    %concatenate3A_318 = tpu.concatenate %slice3A_310, %slice3A_311, %slice3A_312, %slice3A_313, %slice3A_314, %slice3A_315, %slice3A_316, %slice3A_317 in 0 : vector<16x128xf32>, vector<16x128xf32>, vector<16x128xf32>, vector<16x128xf32>, vector<16x128xf32>, vector<16x128xf32>, vector<16x128xf32>, vector<16x128xf32> -> vector<128x128xf32>
    %transpose3A_319 = tpu.transpose %concatenate3A_318, [1, 0] : vector<128x128xf32> -> vector<128x128xf32>
    %swap3A_320 = arith.constant 3072 : index
    %swap3A_321 = arith.constant 0 : index
    %swap3A_322 = vector.load %arg2[%swap3A_320, %swap3A_321] : memref<4096x128xf32, #tpu.memory_space<vmem>>, vector<128x128xf32>
    tpu.vector_store %arg2[%swap3A_320, %swap3A_321], %transpose3A_319 {strides = array<i32>} : memref<4096x128xf32, #tpu.memory_space<vmem>>, vector<128x128xf32>,
    %slice3A_323 = vector.extract_strided_slice %get3A_1 {offsets = [0, 25600], sizes = [16, 128], strides = [1, 1]} : vector<16x32768xf32> to vector<16x128xf32>
    %slice3A_324 = vector.extract_strided_slice %get3A_1 {offsets = [0, 25728], sizes = [16, 128], strides = [1, 1]} : vector<16x32768xf32> to vector<16x128xf32>
    %slice3A_325 = vector.extract_strided_slice %get3A_1 {offsets = [0, 25856], sizes = [16, 128], strides = [1, 1]} : vector<16x32768xf32> to vector<16x128xf32>
    %slice3A_326 = vector.extract_strided_slice %get3A_1 {offsets = [0, 25984], sizes = [16, 128], strides = [1, 1]} : vector<16x32768xf32> to vector<16x128xf32>
    %slice3A_327 = vector.extract_strided_slice %get3A_1 {offsets = [0, 26112], sizes = [16, 128], strides = [1, 1]} : vector<16x32768xf32> to vector<16x128xf32>
    %slice3A_328 = vector.extract_strided_slice %get3A_1 {offsets = [0, 26240], sizes = [16, 128], strides = [1, 1]} : vector<16x32768xf32> to vector<16x128xf32>
    %slice3A_329 = vector.extract_strided_slice %get3A_1 {offsets = [0, 26368], sizes = [16, 128], strides = [1, 1]} : vector<16x32768xf32> to vector<16x128xf32>
    %slice3A_330 = vector.extract_strided_slice %get3A_1 {offsets = [0, 26496], sizes = [16, 128], strides = [1, 1]} : vector<16x32768xf32> to vector<16x128xf32>
    %concatenate3A_331 = tpu.concatenate %slice3A_323, %slice3A_324, %slice3A_325, %slice3A_326, %slice3A_327, %slice3A_328, %slice3A_329, %slice3A_330 in 0 : vector<16x128xf32>, vector<16x128xf32>, vector<16x128xf32>, vector<16x128xf32>, vector<16x128xf32>, vector<16x128xf32>, vector<16x128xf32>, vector<16x128xf32> -> vector<128x128xf32>
    %transpose3A_332 = tpu.transpose %concatenate3A_331, [1, 0] : vector<128x128xf32> -> vector<128x128xf32>
    %swap3A_333 = arith.constant 3200 : index
    %swap3A_334 = arith.constant 0 : index
    %swap3A_335 = vector.load %arg2[%swap3A_333, %swap3A_334] : memref<4096x128xf32, #tpu.memory_space<vmem>>, vector<128x128xf32>
    tpu.vector_store %arg2[%swap3A_333, %swap3A_334], %transpose3A_332 {strides = array<i32>} : memref<4096x128xf32, #tpu.memory_space<vmem>>, vector<128x128xf32>,
    %slice3A_336 = vector.extract_strided_slice %get3A_1 {offsets = [0, 26624], sizes = [16, 128], strides = [1, 1]} : vector<16x32768xf32> to vector<16x128xf32>
    %slice3A_337 = vector.extract_strided_slice %get3A_1 {offsets = [0, 26752], sizes = [16, 128], strides = [1, 1]} : vector<16x32768xf32> to vector<16x128xf32>
    %slice3A_338 = vector.extract_strided_slice %get3A_1 {offsets = [0, 26880], sizes = [16, 128], strides = [1, 1]} : vector<16x32768xf32> to vector<16x128xf32>
    %slice3A_339 = vector.extract_strided_slice %get3A_1 {offsets = [0, 27008], sizes = [16, 128], strides = [1, 1]} : vector<16x32768xf32> to vector<16x128xf32>
    %slice3A_340 = vector.extract_strided_slice %get3A_1 {offsets = [0, 27136], sizes = [16, 128], strides = [1, 1]} : vector<16x32768xf32> to vector<16x128xf32>
    %slice3A_341 = vector.extract_strided_slice %get3A_1 {offsets = [0, 27264], sizes = [16, 128], strides = [1, 1]} : vector<16x32768xf32> to vector<16x128xf32>
    %slice3A_342 = vector.extract_strided_slice %get3A_1 {offsets = [0, 27392], sizes = [16, 128], strides = [1, 1]} : vector<16x32768xf32> to vector<16x128xf32>
    %slice3A_343 = vector.extract_strided_slice %get3A_1 {offsets = [0, 27520], sizes = [16, 128], strides = [1, 1]} : vector<16x32768xf32> to vector<16x128xf32>
    %concatenate3A_344 = tpu.concatenate %slice3A_336, %slice3A_337, %slice3A_338, %slice3A_339, %slice3A_340, %slice3A_341, %slice3A_342, %slice3A_343 in 0 : vector<16x128xf32>, vector<16x128xf32>, vector<16x128xf32>, vector<16x128xf32>, vector<16x128xf32>, vector<16x128xf32>, vector<16x128xf32>, vector<16x128xf32> -> vector<128x128xf32>
    %transpose3A_345 = tpu.transpose %concatenate3A_344, [1, 0] : vector<128x128xf32> -> vector<128x128xf32>
    %swap3A_346 = arith.constant 3328 : index
    %swap3A_347 = arith.constant 0 : index
    %swap3A_348 = vector.load %arg2[%swap3A_346, %swap3A_347] : memref<4096x128xf32, #tpu.memory_space<vmem>>, vector<128x128xf32>
    tpu.vector_store %arg2[%swap3A_346, %swap3A_347], %transpose3A_345 {strides = array<i32>} : memref<4096x128xf32, #tpu.memory_space<vmem>>, vector<128x128xf32>,
    %slice3A_349 = vector.extract_strided_slice %get3A_1 {offsets = [0, 27648], sizes = [16, 128], strides = [1, 1]} : vector<16x32768xf32> to vector<16x128xf32>
    %slice3A_350 = vector.extract_strided_slice %get3A_1 {offsets = [0, 27776], sizes = [16, 128], strides = [1, 1]} : vector<16x32768xf32> to vector<16x128xf32>
    %slice3A_351 = vector.extract_strided_slice %get3A_1 {offsets = [0, 27904], sizes = [16, 128], strides = [1, 1]} : vector<16x32768xf32> to vector<16x128xf32>
    %slice3A_352 = vector.extract_strided_slice %get3A_1 {offsets = [0, 28032], sizes = [16, 128], strides = [1, 1]} : vector<16x32768xf32> to vector<16x128xf32>
    %slice3A_353 = vector.extract_strided_slice %get3A_1 {offsets = [0, 28160], sizes = [16, 128], strides = [1, 1]} : vector<16x32768xf32> to vector<16x128xf32>
    %slice3A_354 = vector.extract_strided_slice %get3A_1 {offsets = [0, 28288], sizes = [16, 128], strides = [1, 1]} : vector<16x32768xf32> to vector<16x128xf32>
    %slice3A_355 = vector.extract_strided_slice %get3A_1 {offsets = [0, 28416], sizes = [16, 128], strides = [1, 1]} : vector<16x32768xf32> to vector<16x128xf32>
    %slice3A_356 = vector.extract_strided_slice %get3A_1 {offsets = [0, 28544], sizes = [16, 128], strides = [1, 1]} : vector<16x32768xf32> to vector<16x128xf32>
    %concatenate3A_357 = tpu.concatenate %slice3A_349, %slice3A_350, %slice3A_351, %slice3A_352, %slice3A_353, %slice3A_354, %slice3A_355, %slice3A_356 in 0 : vector<16x128xf32>, vector<16x128xf32>, vector<16x128xf32>, vector<16x128xf32>, vector<16x128xf32>, vector<16x128xf32>, vector<16x128xf32>, vector<16x128xf32> -> vector<128x128xf32>
    %transpose3A_358 = tpu.transpose %concatenate3A_357, [1, 0] : vector<128x128xf32> -> vector<128x128xf32>
    %swap3A_359 = arith.constant 3456 : index
    %swap3A_360 = arith.constant 0 : index
    %swap3A_361 = vector.load %arg2[%swap3A_359, %swap3A_360] : memref<4096x128xf32, #tpu.memory_space<vmem>>, vector<128x128xf32>
    tpu.vector_store %arg2[%swap3A_359, %swap3A_360], %transpose3A_358 {strides = array<i32>} : memref<4096x128xf32, #tpu.memory_space<vmem>>, vector<128x128xf32>,
    %slice3A_362 = vector.extract_strided_slice %get3A_1 {offsets = [0, 28672], sizes = [16, 128], strides = [1, 1]} : vector<16x32768xf32> to vector<16x128xf32>
    %slice3A_363 = vector.extract_strided_slice %get3A_1 {offsets = [0, 28800], sizes = [16, 128], strides = [1, 1]} : vector<16x32768xf32> to vector<16x128xf32>
    %slice3A_364 = vector.extract_strided_slice %get3A_1 {offsets = [0, 28928], sizes = [16, 128], strides = [1, 1]} : vector<16x32768xf32> to vector<16x128xf32>
    %slice3A_365 = vector.extract_strided_slice %get3A_1 {offsets = [0, 29056], sizes = [16, 128], strides = [1, 1]} : vector<16x32768xf32> to vector<16x128xf32>
    %slice3A_366 = vector.extract_strided_slice %get3A_1 {offsets = [0, 29184], sizes = [16, 128], strides = [1, 1]} : vector<16x32768xf32> to vector<16x128xf32>
    %slice3A_367 = vector.extract_strided_slice %get3A_1 {offsets = [0, 29312], sizes = [16, 128], strides = [1, 1]} : vector<16x32768xf32> to vector<16x128xf32>
    %slice3A_368 = vector.extract_strided_slice %get3A_1 {offsets = [0, 29440], sizes = [16, 128], strides = [1, 1]} : vector<16x32768xf32> to vector<16x128xf32>
    %slice3A_369 = vector.extract_strided_slice %get3A_1 {offsets = [0, 29568], sizes = [16, 128], strides = [1, 1]} : vector<16x32768xf32> to vector<16x128xf32>
    %concatenate3A_370 = tpu.concatenate %slice3A_362, %slice3A_363, %slice3A_364, %slice3A_365, %slice3A_366, %slice3A_367, %slice3A_368, %slice3A_369 in 0 : vector<16x128xf32>, vector<16x128xf32>, vector<16x128xf32>, vector<16x128xf32>, vector<16x128xf32>, vector<16x128xf32>, vector<16x128xf32>, vector<16x128xf32> -> vector<128x128xf32>
    %transpose3A_371 = tpu.transpose %concatenate3A_370, [1, 0] : vector<128x128xf32> -> vector<128x128xf32>
    %swap3A_372 = arith.constant 3584 : index
    %swap3A_373 = arith.constant 0 : index
    %swap3A_374 = vector.load %arg2[%swap3A_372, %swap3A_373] : memref<4096x128xf32, #tpu.memory_space<vmem>>, vector<128x128xf32>
    tpu.vector_store %arg2[%swap3A_372, %swap3A_373], %transpose3A_371 {strides = array<i32>} : memref<4096x128xf32, #tpu.memory_space<vmem>>, vector<128x128xf32>,
    %slice3A_375 = vector.extract_strided_slice %get3A_1 {offsets = [0, 29696], sizes = [16, 128], strides = [1, 1]} : vector<16x32768xf32> to vector<16x128xf32>
    %slice3A_376 = vector.extract_strided_slice %get3A_1 {offsets = [0, 29824], sizes = [16, 128], strides = [1, 1]} : vector<16x32768xf32> to vector<16x128xf32>
    %slice3A_377 = vector.extract_strided_slice %get3A_1 {offsets = [0, 29952], sizes = [16, 128], strides = [1, 1]} : vector<16x32768xf32> to vector<16x128xf32>
    %slice3A_378 = vector.extract_strided_slice %get3A_1 {offsets = [0, 30080], sizes = [16, 128], strides = [1, 1]} : vector<16x32768xf32> to vector<16x128xf32>
    %slice3A_379 = vector.extract_strided_slice %get3A_1 {offsets = [0, 30208], sizes = [16, 128], strides = [1, 1]} : vector<16x32768xf32> to vector<16x128xf32>
    %slice3A_380 = vector.extract_strided_slice %get3A_1 {offsets = [0, 30336], sizes = [16, 128], strides = [1, 1]} : vector<16x32768xf32> to vector<16x128xf32>
    %slice3A_381 = vector.extract_strided_slice %get3A_1 {offsets = [0, 30464], sizes = [16, 128], strides = [1, 1]} : vector<16x32768xf32> to vector<16x128xf32>
    %slice3A_382 = vector.extract_strided_slice %get3A_1 {offsets = [0, 30592], sizes = [16, 128], strides = [1, 1]} : vector<16x32768xf32> to vector<16x128xf32>
    %concatenate3A_383 = tpu.concatenate %slice3A_375, %slice3A_376, %slice3A_377, %slice3A_378, %slice3A_379, %slice3A_380, %slice3A_381, %slice3A_382 in 0 : vector<16x128xf32>, vector<16x128xf32>, vector<16x128xf32>, vector<16x128xf32>, vector<16x128xf32>, vector<16x128xf32>, vector<16x128xf32>, vector<16x128xf32> -> vector<128x128xf32>
    %transpose3A_384 = tpu.transpose %concatenate3A_383, [1, 0] : vector<128x128xf32> -> vector<128x128xf32>
    %swap3A_385 = arith.constant 3712 : index
    %swap3A_386 = arith.constant 0 : index
    %swap3A_387 = vector.load %arg2[%swap3A_385, %swap3A_386] : memref<4096x128xf32, #tpu.memory_space<vmem>>, vector<128x128xf32>
    tpu.vector_store %arg2[%swap3A_385, %swap3A_386], %transpose3A_384 {strides = array<i32>} : memref<4096x128xf32, #tpu.memory_space<vmem>>, vector<128x128xf32>,
    %slice3A_388 = vector.extract_strided_slice %get3A_1 {offsets = [0, 30720], sizes = [16, 128], strides = [1, 1]} : vector<16x32768xf32> to vector<16x128xf32>
    %slice3A_389 = vector.extract_strided_slice %get3A_1 {offsets = [0, 30848], sizes = [16, 128], strides = [1, 1]} : vector<16x32768xf32> to vector<16x128xf32>
    %slice3A_390 = vector.extract_strided_slice %get3A_1 {offsets = [0, 30976], sizes = [16, 128], strides = [1, 1]} : vector<16x32768xf32> to vector<16x128xf32>
    %slice3A_391 = vector.extract_strided_slice %get3A_1 {offsets = [0, 31104], sizes = [16, 128], strides = [1, 1]} : vector<16x32768xf32> to vector<16x128xf32>
    %slice3A_392 = vector.extract_strided_slice %get3A_1 {offsets = [0, 31232], sizes = [16, 128], strides = [1, 1]} : vector<16x32768xf32> to vector<16x128xf32>
    %slice3A_393 = vector.extract_strided_slice %get3A_1 {offsets = [0, 31360], sizes = [16, 128], strides = [1, 1]} : vector<16x32768xf32> to vector<16x128xf32>
    %slice3A_394 = vector.extract_strided_slice %get3A_1 {offsets = [0, 31488], sizes = [16, 128], strides = [1, 1]} : vector<16x32768xf32> to vector<16x128xf32>
    %slice3A_395 = vector.extract_strided_slice %get3A_1 {offsets = [0, 31616], sizes = [16, 128], strides = [1, 1]} : vector<16x32768xf32> to vector<16x128xf32>
    %concatenate3A_396 = tpu.concatenate %slice3A_388, %slice3A_389, %slice3A_390, %slice3A_391, %slice3A_392, %slice3A_393, %slice3A_394, %slice3A_395 in 0 : vector<16x128xf32>, vector<16x128xf32>, vector<16x128xf32>, vector<16x128xf32>, vector<16x128xf32>, vector<16x128xf32>, vector<16x128xf32>, vector<16x128xf32> -> vector<128x128xf32>
    %transpose3A_397 = tpu.transpose %concatenate3A_396, [1, 0] : vector<128x128xf32> -> vector<128x128xf32>
    %swap3A_398 = arith.constant 3840 : index
    %swap3A_399 = arith.constant 0 : index
    %swap3A_400 = vector.load %arg2[%swap3A_398, %swap3A_399] : memref<4096x128xf32, #tpu.memory_space<vmem>>, vector<128x128xf32>
    tpu.vector_store %arg2[%swap3A_398, %swap3A_399], %transpose3A_397 {strides = array<i32>} : memref<4096x128xf32, #tpu.memory_space<vmem>>, vector<128x128xf32>,
    %slice3A_401 = vector.extract_strided_slice %get3A_1 {offsets = [0, 31744], sizes = [16, 128], strides = [1, 1]} : vector<16x32768xf32> to vector<16x128xf32>
    %slice3A_402 = vector.extract_strided_slice %get3A_1 {offsets = [0, 31872], sizes = [16, 128], strides = [1, 1]} : vector<16x32768xf32> to vector<16x128xf32>
    %slice3A_403 = vector.extract_strided_slice %get3A_1 {offsets = [0, 32000], sizes = [16, 128], strides = [1, 1]} : vector<16x32768xf32> to vector<16x128xf32>
    %slice3A_404 = vector.extract_strided_slice %get3A_1 {offsets = [0, 32128], sizes = [16, 128], strides = [1, 1]} : vector<16x32768xf32> to vector<16x128xf32>
    %slice3A_405 = vector.extract_strided_slice %get3A_1 {offsets = [0, 32256], sizes = [16, 128], strides = [1, 1]} : vector<16x32768xf32> to vector<16x128xf32>
    %slice3A_406 = vector.extract_strided_slice %get3A_1 {offsets = [0, 32384], sizes = [16, 128], strides = [1, 1]} : vector<16x32768xf32> to vector<16x128xf32>
    %slice3A_407 = vector.extract_strided_slice %get3A_1 {offsets = [0, 32512], sizes = [16, 128], strides = [1, 1]} : vector<16x32768xf32> to vector<16x128xf32>
    %slice3A_408 = vector.extract_strided_slice %get3A_1 {offsets = [0, 32640], sizes = [16, 128], strides = [1, 1]} : vector<16x32768xf32> to vector<16x128xf32>
    %concatenate3A_409 = tpu.concatenate %slice3A_401, %slice3A_402, %slice3A_403, %slice3A_404, %slice3A_405, %slice3A_406, %slice3A_407, %slice3A_408 in 0 : vector<16x128xf32>, vector<16x128xf32>, vector<16x128xf32>, vector<16x128xf32>, vector<16x128xf32>, vector<16x128xf32>, vector<16x128xf32>, vector<16x128xf32> -> vector<128x128xf32>
    %transpose3A_410 = tpu.transpose %concatenate3A_409, [1, 0] : vector<128x128xf32> -> vector<128x128xf32>
    %swap3A_411 = arith.constant 3968 : index
    %swap3A_412 = arith.constant 0 : index
    %swap3A_413 = vector.load %arg2[%swap3A_411, %swap3A_412] : memref<4096x128xf32, #tpu.memory_space<vmem>>, vector<128x128xf32>
    tpu.vector_store %arg2[%swap3A_411, %swap3A_412], %transpose3A_410 {strides = array<i32>} : memref<4096x128xf32, #tpu.memory_space<vmem>>, vector<128x128xf32>,
    return
  }
  func.func @transform_0(%arg0: i32) -> (i32, i32) {
    %c0_i32 = arith.constant 0 : i32
    %c0_i32_0 = arith.constant 0 : i32
    return %c0_i32, %arg0 : i32, i32
  }
  func.func @transform_1(%arg0: i32) -> (i32, i32) {
    %c0_i32 = arith.constant 0 : i32
    %c0_i32_0 = arith.constant 0 : i32
    return %arg0, %c0_i32 : i32, i32
  }
}

module attributes {stable_mosaic.version = 14 : i64} {
  func.func @_hash_body(%arg0: i32, %arg1: memref<32x64x512xf32, #tpu.memory_space<vmem>>, %arg2: memref<32x512xi32, #tpu.memory_space<vmem>>) attributes {dimension_semantics = [#tpu.dimension_semantics<arbitrary>], iteration_bounds = array<i64: 8>, scalar_prefetch = 0 : i64, scratch_operands = 0 : i64, tpu.core_type = #tpu.core_type<tc>, window_params = [{transform_indices = @transform_0, window_bounds = array<i64: 32, 64, 512>}, {transform_indices = @transform_1, window_bounds = array<i64: 32, 512>}]} {
    %get3A = arith.constant 0 : index
    %get3A_0 = arith.constant 0 : index
    %get3A_1 = arith.constant 0 : index
    %get3A_2 = vector.load %arg1[%get3A, %get3A_0, %get3A_1] : memref<32x64x512xf32, #tpu.memory_space<vmem>>, vector<32x64x512xf32>
    %mul3A = arith.constant 3.100000e+01 : f32
    %mul3A_3 = vector.broadcast %mul3A : f32 to vector<32x64x512xf32>
    %mul3A_4 = arith.mulf %get3A_2, %mul3A_3 : vector<32x64x512xf32>
    %broadcast_in_dim3A = arith.constant 0.000000e+00 : f32
    %broadcast_in_dim3A_5 = vector.broadcast %broadcast_in_dim3A : f32 to vector<32x8x512xf32>
    %slice3A = vector.extract_strided_slice %mul3A_4 {offsets = [0, 0, 0], sizes = [32, 8, 512], strides = [1, 1, 1]} : vector<32x64x512xf32> to vector<32x8x512xf32>
    %slice3A_6 = vector.extract_strided_slice %slice3A {offsets = [0, 0, 0], sizes = [32, 8, 1], strides = [1, 1, 1]} : vector<32x8x512xf32> to vector<32x8x1xf32>
    %slice3A_7 = vector.extract_strided_slice %slice3A {offsets = [0, 0, 0], sizes = [32, 8, 510], strides = [1, 1, 1]} : vector<32x8x512xf32> to vector<32x8x510xf32>
    %concatenate3A = tpu.concatenate %slice3A_6, %slice3A_6, %slice3A_7 in 2 : vector<32x8x1xf32>, vector<32x8x1xf32>, vector<32x8x510xf32> -> vector<32x8x512xf32>
    %add3A = arith.addf %broadcast_in_dim3A_5, %concatenate3A : vector<32x8x512xf32>
    %slice3A_8 = vector.extract_strided_slice %slice3A {offsets = [0, 0, 0], sizes = [32, 8, 1], strides = [1, 1, 1]} : vector<32x8x512xf32> to vector<32x8x1xf32>
    %slice3A_9 = vector.extract_strided_slice %slice3A {offsets = [0, 0, 0], sizes = [32, 8, 511], strides = [1, 1, 1]} : vector<32x8x512xf32> to vector<32x8x511xf32>
    %concatenate3A_10 = tpu.concatenate %slice3A_8, %slice3A_9 in 2 : vector<32x8x1xf32>, vector<32x8x511xf32> -> vector<32x8x512xf32>
    %add3A_11 = arith.addf %add3A, %concatenate3A_10 : vector<32x8x512xf32>
    %add3A_12 = arith.addf %add3A_11, %slice3A : vector<32x8x512xf32>
    %slice3A_13 = vector.extract_strided_slice %slice3A {offsets = [0, 0, 1], sizes = [32, 8, 511], strides = [1, 1, 1]} : vector<32x8x512xf32> to vector<32x8x511xf32>
    %slice3A_14 = vector.extract_strided_slice %slice3A {offsets = [0, 0, 511], sizes = [32, 8, 1], strides = [1, 1, 1]} : vector<32x8x512xf32> to vector<32x8x1xf32>
    %concatenate3A_15 = tpu.concatenate %slice3A_13, %slice3A_14 in 2 : vector<32x8x511xf32>, vector<32x8x1xf32> -> vector<32x8x512xf32>
    %add3A_16 = arith.addf %add3A_12, %concatenate3A_15 : vector<32x8x512xf32>
    %slice3A_17 = vector.extract_strided_slice %mul3A_4 {offsets = [0, 8, 0], sizes = [32, 8, 512], strides = [1, 1, 1]} : vector<32x64x512xf32> to vector<32x8x512xf32>
    %slice3A_18 = vector.extract_strided_slice %slice3A_17 {offsets = [0, 0, 0], sizes = [32, 8, 1], strides = [1, 1, 1]} : vector<32x8x512xf32> to vector<32x8x1xf32>
    %slice3A_19 = vector.extract_strided_slice %slice3A_17 {offsets = [0, 0, 0], sizes = [32, 8, 510], strides = [1, 1, 1]} : vector<32x8x512xf32> to vector<32x8x510xf32>
    %concatenate3A_20 = tpu.concatenate %slice3A_18, %slice3A_18, %slice3A_19 in 2 : vector<32x8x1xf32>, vector<32x8x1xf32>, vector<32x8x510xf32> -> vector<32x8x512xf32>
    %add3A_21 = arith.addf %add3A_16, %concatenate3A_20 : vector<32x8x512xf32>
    %slice3A_22 = vector.extract_strided_slice %slice3A_17 {offsets = [0, 0, 0], sizes = [32, 8, 1], strides = [1, 1, 1]} : vector<32x8x512xf32> to vector<32x8x1xf32>
    %slice3A_23 = vector.extract_strided_slice %slice3A_17 {offsets = [0, 0, 0], sizes = [32, 8, 511], strides = [1, 1, 1]} : vector<32x8x512xf32> to vector<32x8x511xf32>
    %concatenate3A_24 = tpu.concatenate %slice3A_22, %slice3A_23 in 2 : vector<32x8x1xf32>, vector<32x8x511xf32> -> vector<32x8x512xf32>
    %add3A_25 = arith.addf %add3A_21, %concatenate3A_24 : vector<32x8x512xf32>
    %add3A_26 = arith.addf %add3A_25, %slice3A_17 : vector<32x8x512xf32>
    %slice3A_27 = vector.extract_strided_slice %slice3A_17 {offsets = [0, 0, 1], sizes = [32, 8, 511], strides = [1, 1, 1]} : vector<32x8x512xf32> to vector<32x8x511xf32>
    %slice3A_28 = vector.extract_strided_slice %slice3A_17 {offsets = [0, 0, 511], sizes = [32, 8, 1], strides = [1, 1, 1]} : vector<32x8x512xf32> to vector<32x8x1xf32>
    %concatenate3A_29 = tpu.concatenate %slice3A_27, %slice3A_28 in 2 : vector<32x8x511xf32>, vector<32x8x1xf32> -> vector<32x8x512xf32>
    %add3A_30 = arith.addf %add3A_26, %concatenate3A_29 : vector<32x8x512xf32>
    %slice3A_31 = vector.extract_strided_slice %mul3A_4 {offsets = [0, 16, 0], sizes = [32, 8, 512], strides = [1, 1, 1]} : vector<32x64x512xf32> to vector<32x8x512xf32>
    %slice3A_32 = vector.extract_strided_slice %slice3A_31 {offsets = [0, 0, 0], sizes = [32, 8, 1], strides = [1, 1, 1]} : vector<32x8x512xf32> to vector<32x8x1xf32>
    %slice3A_33 = vector.extract_strided_slice %slice3A_31 {offsets = [0, 0, 0], sizes = [32, 8, 510], strides = [1, 1, 1]} : vector<32x8x512xf32> to vector<32x8x510xf32>
    %concatenate3A_34 = tpu.concatenate %slice3A_32, %slice3A_32, %slice3A_33 in 2 : vector<32x8x1xf32>, vector<32x8x1xf32>, vector<32x8x510xf32> -> vector<32x8x512xf32>
    %add3A_35 = arith.addf %add3A_30, %concatenate3A_34 : vector<32x8x512xf32>
    %slice3A_36 = vector.extract_strided_slice %slice3A_31 {offsets = [0, 0, 0], sizes = [32, 8, 1], strides = [1, 1, 1]} : vector<32x8x512xf32> to vector<32x8x1xf32>
    %slice3A_37 = vector.extract_strided_slice %slice3A_31 {offsets = [0, 0, 0], sizes = [32, 8, 511], strides = [1, 1, 1]} : vector<32x8x512xf32> to vector<32x8x511xf32>
    %concatenate3A_38 = tpu.concatenate %slice3A_36, %slice3A_37 in 2 : vector<32x8x1xf32>, vector<32x8x511xf32> -> vector<32x8x512xf32>
    %add3A_39 = arith.addf %add3A_35, %concatenate3A_38 : vector<32x8x512xf32>
    %add3A_40 = arith.addf %add3A_39, %slice3A_31 : vector<32x8x512xf32>
    %slice3A_41 = vector.extract_strided_slice %slice3A_31 {offsets = [0, 0, 1], sizes = [32, 8, 511], strides = [1, 1, 1]} : vector<32x8x512xf32> to vector<32x8x511xf32>
    %slice3A_42 = vector.extract_strided_slice %slice3A_31 {offsets = [0, 0, 511], sizes = [32, 8, 1], strides = [1, 1, 1]} : vector<32x8x512xf32> to vector<32x8x1xf32>
    %concatenate3A_43 = tpu.concatenate %slice3A_41, %slice3A_42 in 2 : vector<32x8x511xf32>, vector<32x8x1xf32> -> vector<32x8x512xf32>
    %add3A_44 = arith.addf %add3A_40, %concatenate3A_43 : vector<32x8x512xf32>
    %slice3A_45 = vector.extract_strided_slice %mul3A_4 {offsets = [0, 24, 0], sizes = [32, 8, 512], strides = [1, 1, 1]} : vector<32x64x512xf32> to vector<32x8x512xf32>
    %slice3A_46 = vector.extract_strided_slice %slice3A_45 {offsets = [0, 0, 0], sizes = [32, 8, 1], strides = [1, 1, 1]} : vector<32x8x512xf32> to vector<32x8x1xf32>
    %slice3A_47 = vector.extract_strided_slice %slice3A_45 {offsets = [0, 0, 0], sizes = [32, 8, 510], strides = [1, 1, 1]} : vector<32x8x512xf32> to vector<32x8x510xf32>
    %concatenate3A_48 = tpu.concatenate %slice3A_46, %slice3A_46, %slice3A_47 in 2 : vector<32x8x1xf32>, vector<32x8x1xf32>, vector<32x8x510xf32> -> vector<32x8x512xf32>
    %add3A_49 = arith.addf %add3A_44, %concatenate3A_48 : vector<32x8x512xf32>
    %slice3A_50 = vector.extract_strided_slice %slice3A_45 {offsets = [0, 0, 0], sizes = [32, 8, 1], strides = [1, 1, 1]} : vector<32x8x512xf32> to vector<32x8x1xf32>
    %slice3A_51 = vector.extract_strided_slice %slice3A_45 {offsets = [0, 0, 0], sizes = [32, 8, 511], strides = [1, 1, 1]} : vector<32x8x512xf32> to vector<32x8x511xf32>
    %concatenate3A_52 = tpu.concatenate %slice3A_50, %slice3A_51 in 2 : vector<32x8x1xf32>, vector<32x8x511xf32> -> vector<32x8x512xf32>
    %add3A_53 = arith.addf %add3A_49, %concatenate3A_52 : vector<32x8x512xf32>
    %add3A_54 = arith.addf %add3A_53, %slice3A_45 : vector<32x8x512xf32>
    %slice3A_55 = vector.extract_strided_slice %slice3A_45 {offsets = [0, 0, 1], sizes = [32, 8, 511], strides = [1, 1, 1]} : vector<32x8x512xf32> to vector<32x8x511xf32>
    %slice3A_56 = vector.extract_strided_slice %slice3A_45 {offsets = [0, 0, 511], sizes = [32, 8, 1], strides = [1, 1, 1]} : vector<32x8x512xf32> to vector<32x8x1xf32>
    %concatenate3A_57 = tpu.concatenate %slice3A_55, %slice3A_56 in 2 : vector<32x8x511xf32>, vector<32x8x1xf32> -> vector<32x8x512xf32>
    %add3A_58 = arith.addf %add3A_54, %concatenate3A_57 : vector<32x8x512xf32>
    %slice3A_59 = vector.extract_strided_slice %mul3A_4 {offsets = [0, 32, 0], sizes = [32, 8, 512], strides = [1, 1, 1]} : vector<32x64x512xf32> to vector<32x8x512xf32>
    %slice3A_60 = vector.extract_strided_slice %slice3A_59 {offsets = [0, 0, 0], sizes = [32, 8, 1], strides = [1, 1, 1]} : vector<32x8x512xf32> to vector<32x8x1xf32>
    %slice3A_61 = vector.extract_strided_slice %slice3A_59 {offsets = [0, 0, 0], sizes = [32, 8, 510], strides = [1, 1, 1]} : vector<32x8x512xf32> to vector<32x8x510xf32>
    %concatenate3A_62 = tpu.concatenate %slice3A_60, %slice3A_60, %slice3A_61 in 2 : vector<32x8x1xf32>, vector<32x8x1xf32>, vector<32x8x510xf32> -> vector<32x8x512xf32>
    %add3A_63 = arith.addf %add3A_58, %concatenate3A_62 : vector<32x8x512xf32>
    %slice3A_64 = vector.extract_strided_slice %slice3A_59 {offsets = [0, 0, 0], sizes = [32, 8, 1], strides = [1, 1, 1]} : vector<32x8x512xf32> to vector<32x8x1xf32>
    %slice3A_65 = vector.extract_strided_slice %slice3A_59 {offsets = [0, 0, 0], sizes = [32, 8, 511], strides = [1, 1, 1]} : vector<32x8x512xf32> to vector<32x8x511xf32>
    %concatenate3A_66 = tpu.concatenate %slice3A_64, %slice3A_65 in 2 : vector<32x8x1xf32>, vector<32x8x511xf32> -> vector<32x8x512xf32>
    %add3A_67 = arith.addf %add3A_63, %concatenate3A_66 : vector<32x8x512xf32>
    %add3A_68 = arith.addf %add3A_67, %slice3A_59 : vector<32x8x512xf32>
    %slice3A_69 = vector.extract_strided_slice %slice3A_59 {offsets = [0, 0, 1], sizes = [32, 8, 511], strides = [1, 1, 1]} : vector<32x8x512xf32> to vector<32x8x511xf32>
    %slice3A_70 = vector.extract_strided_slice %slice3A_59 {offsets = [0, 0, 511], sizes = [32, 8, 1], strides = [1, 1, 1]} : vector<32x8x512xf32> to vector<32x8x1xf32>
    %concatenate3A_71 = tpu.concatenate %slice3A_69, %slice3A_70 in 2 : vector<32x8x511xf32>, vector<32x8x1xf32> -> vector<32x8x512xf32>
    %add3A_72 = arith.addf %add3A_68, %concatenate3A_71 : vector<32x8x512xf32>
    %slice3A_73 = vector.extract_strided_slice %mul3A_4 {offsets = [0, 40, 0], sizes = [32, 8, 512], strides = [1, 1, 1]} : vector<32x64x512xf32> to vector<32x8x512xf32>
    %slice3A_74 = vector.extract_strided_slice %slice3A_73 {offsets = [0, 0, 0], sizes = [32, 8, 1], strides = [1, 1, 1]} : vector<32x8x512xf32> to vector<32x8x1xf32>
    %slice3A_75 = vector.extract_strided_slice %slice3A_73 {offsets = [0, 0, 0], sizes = [32, 8, 510], strides = [1, 1, 1]} : vector<32x8x512xf32> to vector<32x8x510xf32>
    %concatenate3A_76 = tpu.concatenate %slice3A_74, %slice3A_74, %slice3A_75 in 2 : vector<32x8x1xf32>, vector<32x8x1xf32>, vector<32x8x510xf32> -> vector<32x8x512xf32>
    %add3A_77 = arith.addf %add3A_72, %concatenate3A_76 : vector<32x8x512xf32>
    %slice3A_78 = vector.extract_strided_slice %slice3A_73 {offsets = [0, 0, 0], sizes = [32, 8, 1], strides = [1, 1, 1]} : vector<32x8x512xf32> to vector<32x8x1xf32>
    %slice3A_79 = vector.extract_strided_slice %slice3A_73 {offsets = [0, 0, 0], sizes = [32, 8, 511], strides = [1, 1, 1]} : vector<32x8x512xf32> to vector<32x8x511xf32>
    %concatenate3A_80 = tpu.concatenate %slice3A_78, %slice3A_79 in 2 : vector<32x8x1xf32>, vector<32x8x511xf32> -> vector<32x8x512xf32>
    %add3A_81 = arith.addf %add3A_77, %concatenate3A_80 : vector<32x8x512xf32>
    %add3A_82 = arith.addf %add3A_81, %slice3A_73 : vector<32x8x512xf32>
    %slice3A_83 = vector.extract_strided_slice %slice3A_73 {offsets = [0, 0, 1], sizes = [32, 8, 511], strides = [1, 1, 1]} : vector<32x8x512xf32> to vector<32x8x511xf32>
    %slice3A_84 = vector.extract_strided_slice %slice3A_73 {offsets = [0, 0, 511], sizes = [32, 8, 1], strides = [1, 1, 1]} : vector<32x8x512xf32> to vector<32x8x1xf32>
    %concatenate3A_85 = tpu.concatenate %slice3A_83, %slice3A_84 in 2 : vector<32x8x511xf32>, vector<32x8x1xf32> -> vector<32x8x512xf32>
    %add3A_86 = arith.addf %add3A_82, %concatenate3A_85 : vector<32x8x512xf32>
    %slice3A_87 = vector.extract_strided_slice %mul3A_4 {offsets = [0, 48, 0], sizes = [32, 8, 512], strides = [1, 1, 1]} : vector<32x64x512xf32> to vector<32x8x512xf32>
    %slice3A_88 = vector.extract_strided_slice %slice3A_87 {offsets = [0, 0, 0], sizes = [32, 8, 1], strides = [1, 1, 1]} : vector<32x8x512xf32> to vector<32x8x1xf32>
    %slice3A_89 = vector.extract_strided_slice %slice3A_87 {offsets = [0, 0, 0], sizes = [32, 8, 510], strides = [1, 1, 1]} : vector<32x8x512xf32> to vector<32x8x510xf32>
    %concatenate3A_90 = tpu.concatenate %slice3A_88, %slice3A_88, %slice3A_89 in 2 : vector<32x8x1xf32>, vector<32x8x1xf32>, vector<32x8x510xf32> -> vector<32x8x512xf32>
    %add3A_91 = arith.addf %add3A_86, %concatenate3A_90 : vector<32x8x512xf32>
    %slice3A_92 = vector.extract_strided_slice %slice3A_87 {offsets = [0, 0, 0], sizes = [32, 8, 1], strides = [1, 1, 1]} : vector<32x8x512xf32> to vector<32x8x1xf32>
    %slice3A_93 = vector.extract_strided_slice %slice3A_87 {offsets = [0, 0, 0], sizes = [32, 8, 511], strides = [1, 1, 1]} : vector<32x8x512xf32> to vector<32x8x511xf32>
    %concatenate3A_94 = tpu.concatenate %slice3A_92, %slice3A_93 in 2 : vector<32x8x1xf32>, vector<32x8x511xf32> -> vector<32x8x512xf32>
    %add3A_95 = arith.addf %add3A_91, %concatenate3A_94 : vector<32x8x512xf32>
    %add3A_96 = arith.addf %add3A_95, %slice3A_87 : vector<32x8x512xf32>
    %slice3A_97 = vector.extract_strided_slice %slice3A_87 {offsets = [0, 0, 1], sizes = [32, 8, 511], strides = [1, 1, 1]} : vector<32x8x512xf32> to vector<32x8x511xf32>
    %slice3A_98 = vector.extract_strided_slice %slice3A_87 {offsets = [0, 0, 511], sizes = [32, 8, 1], strides = [1, 1, 1]} : vector<32x8x512xf32> to vector<32x8x1xf32>
    %concatenate3A_99 = tpu.concatenate %slice3A_97, %slice3A_98 in 2 : vector<32x8x511xf32>, vector<32x8x1xf32> -> vector<32x8x512xf32>
    %add3A_100 = arith.addf %add3A_96, %concatenate3A_99 : vector<32x8x512xf32>
    %slice3A_101 = vector.extract_strided_slice %mul3A_4 {offsets = [0, 56, 0], sizes = [32, 8, 512], strides = [1, 1, 1]} : vector<32x64x512xf32> to vector<32x8x512xf32>
    %slice3A_102 = vector.extract_strided_slice %slice3A_101 {offsets = [0, 0, 0], sizes = [32, 8, 1], strides = [1, 1, 1]} : vector<32x8x512xf32> to vector<32x8x1xf32>
    %slice3A_103 = vector.extract_strided_slice %slice3A_101 {offsets = [0, 0, 0], sizes = [32, 8, 510], strides = [1, 1, 1]} : vector<32x8x512xf32> to vector<32x8x510xf32>
    %concatenate3A_104 = tpu.concatenate %slice3A_102, %slice3A_102, %slice3A_103 in 2 : vector<32x8x1xf32>, vector<32x8x1xf32>, vector<32x8x510xf32> -> vector<32x8x512xf32>
    %add3A_105 = arith.addf %add3A_100, %concatenate3A_104 : vector<32x8x512xf32>
    %slice3A_106 = vector.extract_strided_slice %slice3A_101 {offsets = [0, 0, 0], sizes = [32, 8, 1], strides = [1, 1, 1]} : vector<32x8x512xf32> to vector<32x8x1xf32>
    %slice3A_107 = vector.extract_strided_slice %slice3A_101 {offsets = [0, 0, 0], sizes = [32, 8, 511], strides = [1, 1, 1]} : vector<32x8x512xf32> to vector<32x8x511xf32>
    %concatenate3A_108 = tpu.concatenate %slice3A_106, %slice3A_107 in 2 : vector<32x8x1xf32>, vector<32x8x511xf32> -> vector<32x8x512xf32>
    %add3A_109 = arith.addf %add3A_105, %concatenate3A_108 : vector<32x8x512xf32>
    %add3A_110 = arith.addf %add3A_109, %slice3A_101 : vector<32x8x512xf32>
    %slice3A_111 = vector.extract_strided_slice %slice3A_101 {offsets = [0, 0, 1], sizes = [32, 8, 511], strides = [1, 1, 1]} : vector<32x8x512xf32> to vector<32x8x511xf32>
    %slice3A_112 = vector.extract_strided_slice %slice3A_101 {offsets = [0, 0, 511], sizes = [32, 8, 1], strides = [1, 1, 1]} : vector<32x8x512xf32> to vector<32x8x1xf32>
    %concatenate3A_113 = tpu.concatenate %slice3A_111, %slice3A_112 in 2 : vector<32x8x511xf32>, vector<32x8x1xf32> -> vector<32x8x512xf32>
    %add3A_114 = arith.addf %add3A_110, %concatenate3A_113 : vector<32x8x512xf32>
    %slice3A_115 = vector.extract_strided_slice %add3A_114 {offsets = [0, 0, 0], sizes = [32, 4, 512], strides = [1, 1, 1]} : vector<32x8x512xf32> to vector<32x4x512xf32>
    %slice3A_116 = vector.extract_strided_slice %add3A_114 {offsets = [0, 4, 0], sizes = [32, 4, 512], strides = [1, 1, 1]} : vector<32x8x512xf32> to vector<32x4x512xf32>
    %add3A_117 = arith.addf %slice3A_115, %slice3A_116 : vector<32x4x512xf32>
    %slice3A_118 = vector.extract_strided_slice %add3A_117 {offsets = [0, 0, 0], sizes = [32, 2, 512], strides = [1, 1, 1]} : vector<32x4x512xf32> to vector<32x2x512xf32>
    %slice3A_119 = vector.extract_strided_slice %add3A_117 {offsets = [0, 2, 0], sizes = [32, 2, 512], strides = [1, 1, 1]} : vector<32x4x512xf32> to vector<32x2x512xf32>
    %add3A_120 = arith.addf %slice3A_118, %slice3A_119 : vector<32x2x512xf32>
    %slice3A_121 = vector.extract_strided_slice %add3A_120 {offsets = [0, 0, 0], sizes = [32, 1, 512], strides = [1, 1, 1]} : vector<32x2x512xf32> to vector<32x1x512xf32>
    %slice3A_122 = vector.extract_strided_slice %add3A_120 {offsets = [0, 1, 0], sizes = [32, 1, 512], strides = [1, 1, 1]} : vector<32x2x512xf32> to vector<32x1x512xf32>
    %add3A_123 = arith.addf %slice3A_121, %slice3A_122 : vector<32x1x512xf32>
    %squeeze3A = vector.shape_cast %add3A_123 : vector<32x1x512xf32> to vector<32x512xf32>
    %convert_element_type3A = arith.fptosi %squeeze3A : vector<32x512xf32> to vector<32x512xi32>
    %rem3A = arith.constant 1000000 : i32
    %rem3A_124 = vector.broadcast %rem3A : i32 to vector<32x512xi32>
    %rem3A_125 = arith.remsi %convert_element_type3A, %rem3A_124 : vector<32x512xi32>
    %lt3A = arith.constant 0 : i32
    %lt3A_126 = vector.broadcast %lt3A : i32 to vector<32x512xi32>
    %lt3A_127 = arith.cmpi slt, %rem3A_125, %lt3A_126 : vector<32x512xi32>
    %add3A_128 = arith.constant 1000000 : i32
    %add3A_129 = vector.broadcast %add3A_128 : i32 to vector<32x512xi32>
    %add3A_130 = arith.addi %rem3A_125, %add3A_129 : vector<32x512xi32>
    %select_n3A = arith.select %lt3A_127, %add3A_130, %rem3A_125 : vector<32x512xi1>, vector<32x512xi32>
    %shift_right_arithmetic3A = arith.constant 10 : i32
    %shift_right_arithmetic3A_131 = vector.broadcast %shift_right_arithmetic3A : i32 to vector<32x512xi32>
    %shift_right_arithmetic3A_132 = arith.shrsi %select_n3A, %shift_right_arithmetic3A_131 : vector<32x512xi32>
    %shift_left3A = arith.constant 10 : i32
    %shift_left3A_133 = vector.broadcast %shift_left3A : i32 to vector<32x512xi32>
    %shift_left3A_134 = arith.shli %shift_right_arithmetic3A_132, %shift_left3A_133 : vector<32x512xi32>
    %and3A = arith.constant 127 : i32
    %and3A_135 = vector.broadcast %and3A : i32 to vector<32x512xi32>
    %and3A_136 = arith.andi %select_n3A, %and3A_135 : vector<32x512xi32>
    %shift_left3A_137 = arith.constant 3 : i32
    %shift_left3A_138 = vector.broadcast %shift_left3A_137 : i32 to vector<32x512xi32>
    %shift_left3A_139 = arith.shli %and3A_136, %shift_left3A_138 : vector<32x512xi32>
    %add3A_140 = arith.addi %shift_left3A_134, %shift_left3A_139 : vector<32x512xi32>
    %shift_right_arithmetic3A_141 = arith.constant 7 : i32
    %shift_right_arithmetic3A_142 = vector.broadcast %shift_right_arithmetic3A_141 : i32 to vector<32x512xi32>
    %shift_right_arithmetic3A_143 = arith.shrsi %select_n3A, %shift_right_arithmetic3A_142 : vector<32x512xi32>
    %and3A_144 = arith.constant 7 : i32
    %and3A_145 = vector.broadcast %and3A_144 : i32 to vector<32x512xi32>
    %and3A_146 = arith.andi %shift_right_arithmetic3A_143, %and3A_145 : vector<32x512xi32>
    %add3A_147 = arith.addi %add3A_140, %and3A_146 : vector<32x512xi32>
    %swap3A = arith.constant 0 : index
    %swap3A_148 = arith.constant 0 : index
    %swap3A_149 = vector.load %arg2[%swap3A, %swap3A_148] : memref<32x512xi32, #tpu.memory_space<vmem>>, vector<32x512xi32>
    tpu.vector_store %arg2[%swap3A, %swap3A_148], %add3A_147 {strides = array<i32>} : memref<32x512xi32, #tpu.memory_space<vmem>>, vector<32x512xi32>,
    return
  }
  func.func @transform_0(%arg0: i32) -> (i32, i32, i32) {
    %c0_i32 = arith.constant 0 : i32
    %c0_i32_0 = arith.constant 0 : i32
    %c0_i32_1 = arith.constant 0 : i32
    return %arg0, %c0_i32, %c0_i32_0 : i32, i32, i32
  }
  func.func @transform_1(%arg0: i32) -> (i32, i32) {
    %c0_i32 = arith.constant 0 : i32
    %c0_i32_0 = arith.constant 0 : i32
    return %arg0, %c0_i32 : i32, i32
  }
}

module attributes {stable_mosaic.version = 14 : i64} {
  func.func @_proj_body(%arg0: i32, %arg1: memref<512x128xf32, #tpu.memory_space<vmem>>, %arg2: memref<64x16xf32, #tpu.memory_space<vmem>>, %arg3: memref<64x1xf32, #tpu.memory_space<vmem>>, %arg4: memref<8x64x512xf32, #tpu.memory_space<vmem>>) attributes {dimension_semantics = [#tpu.dimension_semantics<arbitrary>], iteration_bounds = array<i64: 32>, scalar_prefetch = 0 : i64, scratch_operands = 0 : i64, tpu.core_type = #tpu.core_type<tc>, window_params = [{transform_indices = @transform_0, window_bounds = array<i64: 512, 128>}, {pipeline_mode = #tpu.pipeline_mode<synchronous>, transform_indices = @transform_1, window_bounds = array<i64: 64, 16>}, {pipeline_mode = #tpu.pipeline_mode<synchronous>, transform_indices = @transform_2, window_bounds = array<i64: 64, 1>}, {transform_indices = @transform_3, window_bounds = array<i64: 8, 64, 512>}]} {
    %get3A = arith.constant 0 : index
    %get3A_0 = arith.constant 0 : index
    %get3A_1 = vector.load %arg1[%get3A, %get3A_0] : memref<512x128xf32, #tpu.memory_space<vmem>>, vector<512x128xf32>
    %transpose3A = tpu.transpose %get3A_1, [1, 0] : vector<512x128xf32> -> vector<128x512xf32>
    %slice3A = vector.extract_strided_slice %transpose3A {offsets = [0, 0], sizes = [16, 64], strides = [1, 1]} : vector<128x512xf32> to vector<16x64xf32>
    %slice3A_2 = vector.extract_strided_slice %transpose3A {offsets = [16, 0], sizes = [16, 64], strides = [1, 1]} : vector<128x512xf32> to vector<16x64xf32>
    %slice3A_3 = vector.extract_strided_slice %transpose3A {offsets = [32, 0], sizes = [16, 64], strides = [1, 1]} : vector<128x512xf32> to vector<16x64xf32>
    %slice3A_4 = vector.extract_strided_slice %transpose3A {offsets = [48, 0], sizes = [16, 64], strides = [1, 1]} : vector<128x512xf32> to vector<16x64xf32>
    %slice3A_5 = vector.extract_strided_slice %transpose3A {offsets = [64, 0], sizes = [16, 64], strides = [1, 1]} : vector<128x512xf32> to vector<16x64xf32>
    %slice3A_6 = vector.extract_strided_slice %transpose3A {offsets = [80, 0], sizes = [16, 64], strides = [1, 1]} : vector<128x512xf32> to vector<16x64xf32>
    %slice3A_7 = vector.extract_strided_slice %transpose3A {offsets = [96, 0], sizes = [16, 64], strides = [1, 1]} : vector<128x512xf32> to vector<16x64xf32>
    %slice3A_8 = vector.extract_strided_slice %transpose3A {offsets = [112, 0], sizes = [16, 64], strides = [1, 1]} : vector<128x512xf32> to vector<16x64xf32>
    %concatenate3A = tpu.concatenate %slice3A, %slice3A_2, %slice3A_3, %slice3A_4, %slice3A_5, %slice3A_6, %slice3A_7, %slice3A_8 in 1 : vector<16x64xf32>, vector<16x64xf32>, vector<16x64xf32>, vector<16x64xf32>, vector<16x64xf32>, vector<16x64xf32>, vector<16x64xf32>, vector<16x64xf32> -> vector<16x512xf32>
    %get3A_9 = arith.constant 0 : index
    %get3A_10 = arith.constant 0 : index
    %get3A_11 = vector.load %arg2[%get3A_9, %get3A_10] : memref<64x16xf32, #tpu.memory_space<vmem>>, vector<64x16xf32>
    %dot_general3A = arith.constant dense<0.000000e+00> : vector<64x512xf32>
    %dot_general3A_12 = tpu.matmul %get3A_11, %concatenate3A, %dot_general3A {dimension_numbers = #tpu.dot_dimension_numbers<[1], [0], [0], [1], [0, 0, 1, 1], [], []>, transpose_lhs_hint = false} : vector<64x16xf32>, vector<16x512xf32>, vector<64x512xf32> -> vector<64x512xf32>
    %get3A_13 = arith.constant 0 : index
    %get3A_14 = arith.constant 0 : index
    %get3A_15 = vector.load %arg3[%get3A_13, %get3A_14] : memref<64x1xf32, #tpu.memory_space<vmem>>, vector<64x1xf32>
    %add3A = vector.broadcast %get3A_15 : vector<64x1xf32> to vector<64x512xf32>
    %add3A_16 = arith.addf %dot_general3A_12, %add3A : vector<64x512xf32>
    %swap3A = arith.constant 0 : index
    %swap3A_17 = arith.constant 0 : index
    %swap3A_18 = arith.constant 0 : index
    %swap3A_19 = vector.load %arg4[%swap3A, %swap3A_17, %swap3A_18] : memref<8x64x512xf32, #tpu.memory_space<vmem>>, vector<1x64x512xf32>
    %swap3A_20 = vector.shape_cast %swap3A_19 : vector<1x64x512xf32> to vector<64x512xf32>
    %swap3A_21 = vector.shape_cast %add3A_16 : vector<64x512xf32> to vector<1x64x512xf32>
    tpu.vector_store %arg4[%swap3A, %swap3A_17, %swap3A_18], %swap3A_21 {strides = array<i32>} : memref<8x64x512xf32, #tpu.memory_space<vmem>>, vector<1x64x512xf32>,
    %slice3A_22 = vector.extract_strided_slice %transpose3A {offsets = [0, 64], sizes = [16, 64], strides = [1, 1]} : vector<128x512xf32> to vector<16x64xf32>
    %slice3A_23 = vector.extract_strided_slice %transpose3A {offsets = [16, 64], sizes = [16, 64], strides = [1, 1]} : vector<128x512xf32> to vector<16x64xf32>
    %slice3A_24 = vector.extract_strided_slice %transpose3A {offsets = [32, 64], sizes = [16, 64], strides = [1, 1]} : vector<128x512xf32> to vector<16x64xf32>
    %slice3A_25 = vector.extract_strided_slice %transpose3A {offsets = [48, 64], sizes = [16, 64], strides = [1, 1]} : vector<128x512xf32> to vector<16x64xf32>
    %slice3A_26 = vector.extract_strided_slice %transpose3A {offsets = [64, 64], sizes = [16, 64], strides = [1, 1]} : vector<128x512xf32> to vector<16x64xf32>
    %slice3A_27 = vector.extract_strided_slice %transpose3A {offsets = [80, 64], sizes = [16, 64], strides = [1, 1]} : vector<128x512xf32> to vector<16x64xf32>
    %slice3A_28 = vector.extract_strided_slice %transpose3A {offsets = [96, 64], sizes = [16, 64], strides = [1, 1]} : vector<128x512xf32> to vector<16x64xf32>
    %slice3A_29 = vector.extract_strided_slice %transpose3A {offsets = [112, 64], sizes = [16, 64], strides = [1, 1]} : vector<128x512xf32> to vector<16x64xf32>
    %concatenate3A_30 = tpu.concatenate %slice3A_22, %slice3A_23, %slice3A_24, %slice3A_25, %slice3A_26, %slice3A_27, %slice3A_28, %slice3A_29 in 1 : vector<16x64xf32>, vector<16x64xf32>, vector<16x64xf32>, vector<16x64xf32>, vector<16x64xf32>, vector<16x64xf32>, vector<16x64xf32>, vector<16x64xf32> -> vector<16x512xf32>
    %get3A_31 = arith.constant 0 : index
    %get3A_32 = arith.constant 0 : index
    %get3A_33 = vector.load %arg2[%get3A_31, %get3A_32] : memref<64x16xf32, #tpu.memory_space<vmem>>, vector<64x16xf32>
    %dot_general3A_34 = arith.constant dense<0.000000e+00> : vector<64x512xf32>
    %dot_general3A_35 = tpu.matmul %get3A_33, %concatenate3A_30, %dot_general3A_34 {dimension_numbers = #tpu.dot_dimension_numbers<[1], [0], [0], [1], [0, 0, 1, 1], [], []>, transpose_lhs_hint = false} : vector<64x16xf32>, vector<16x512xf32>, vector<64x512xf32> -> vector<64x512xf32>
    %get3A_36 = arith.constant 0 : index
    %get3A_37 = arith.constant 0 : index
    %get3A_38 = vector.load %arg3[%get3A_36, %get3A_37] : memref<64x1xf32, #tpu.memory_space<vmem>>, vector<64x1xf32>
    %add3A_39 = vector.broadcast %get3A_38 : vector<64x1xf32> to vector<64x512xf32>
    %add3A_40 = arith.addf %dot_general3A_35, %add3A_39 : vector<64x512xf32>
    %swap3A_41 = arith.constant 1 : index
    %swap3A_42 = arith.constant 0 : index
    %swap3A_43 = arith.constant 0 : index
    %swap3A_44 = vector.load %arg4[%swap3A_41, %swap3A_42, %swap3A_43] : memref<8x64x512xf32, #tpu.memory_space<vmem>>, vector<1x64x512xf32>
    %swap3A_45 = vector.shape_cast %swap3A_44 : vector<1x64x512xf32> to vector<64x512xf32>
    %swap3A_46 = vector.shape_cast %add3A_40 : vector<64x512xf32> to vector<1x64x512xf32>
    tpu.vector_store %arg4[%swap3A_41, %swap3A_42, %swap3A_43], %swap3A_46 {strides = array<i32>} : memref<8x64x512xf32, #tpu.memory_space<vmem>>, vector<1x64x512xf32>,
    %slice3A_47 = vector.extract_strided_slice %transpose3A {offsets = [0, 128], sizes = [16, 64], strides = [1, 1]} : vector<128x512xf32> to vector<16x64xf32>
    %slice3A_48 = vector.extract_strided_slice %transpose3A {offsets = [16, 128], sizes = [16, 64], strides = [1, 1]} : vector<128x512xf32> to vector<16x64xf32>
    %slice3A_49 = vector.extract_strided_slice %transpose3A {offsets = [32, 128], sizes = [16, 64], strides = [1, 1]} : vector<128x512xf32> to vector<16x64xf32>
    %slice3A_50 = vector.extract_strided_slice %transpose3A {offsets = [48, 128], sizes = [16, 64], strides = [1, 1]} : vector<128x512xf32> to vector<16x64xf32>
    %slice3A_51 = vector.extract_strided_slice %transpose3A {offsets = [64, 128], sizes = [16, 64], strides = [1, 1]} : vector<128x512xf32> to vector<16x64xf32>
    %slice3A_52 = vector.extract_strided_slice %transpose3A {offsets = [80, 128], sizes = [16, 64], strides = [1, 1]} : vector<128x512xf32> to vector<16x64xf32>
    %slice3A_53 = vector.extract_strided_slice %transpose3A {offsets = [96, 128], sizes = [16, 64], strides = [1, 1]} : vector<128x512xf32> to vector<16x64xf32>
    %slice3A_54 = vector.extract_strided_slice %transpose3A {offsets = [112, 128], sizes = [16, 64], strides = [1, 1]} : vector<128x512xf32> to vector<16x64xf32>
    %concatenate3A_55 = tpu.concatenate %slice3A_47, %slice3A_48, %slice3A_49, %slice3A_50, %slice3A_51, %slice3A_52, %slice3A_53, %slice3A_54 in 1 : vector<16x64xf32>, vector<16x64xf32>, vector<16x64xf32>, vector<16x64xf32>, vector<16x64xf32>, vector<16x64xf32>, vector<16x64xf32>, vector<16x64xf32> -> vector<16x512xf32>
    %get3A_56 = arith.constant 0 : index
    %get3A_57 = arith.constant 0 : index
    %get3A_58 = vector.load %arg2[%get3A_56, %get3A_57] : memref<64x16xf32, #tpu.memory_space<vmem>>, vector<64x16xf32>
    %dot_general3A_59 = arith.constant dense<0.000000e+00> : vector<64x512xf32>
    %dot_general3A_60 = tpu.matmul %get3A_58, %concatenate3A_55, %dot_general3A_59 {dimension_numbers = #tpu.dot_dimension_numbers<[1], [0], [0], [1], [0, 0, 1, 1], [], []>, transpose_lhs_hint = false} : vector<64x16xf32>, vector<16x512xf32>, vector<64x512xf32> -> vector<64x512xf32>
    %get3A_61 = arith.constant 0 : index
    %get3A_62 = arith.constant 0 : index
    %get3A_63 = vector.load %arg3[%get3A_61, %get3A_62] : memref<64x1xf32, #tpu.memory_space<vmem>>, vector<64x1xf32>
    %add3A_64 = vector.broadcast %get3A_63 : vector<64x1xf32> to vector<64x512xf32>
    %add3A_65 = arith.addf %dot_general3A_60, %add3A_64 : vector<64x512xf32>
    %swap3A_66 = arith.constant 2 : index
    %swap3A_67 = arith.constant 0 : index
    %swap3A_68 = arith.constant 0 : index
    %swap3A_69 = vector.load %arg4[%swap3A_66, %swap3A_67, %swap3A_68] : memref<8x64x512xf32, #tpu.memory_space<vmem>>, vector<1x64x512xf32>
    %swap3A_70 = vector.shape_cast %swap3A_69 : vector<1x64x512xf32> to vector<64x512xf32>
    %swap3A_71 = vector.shape_cast %add3A_65 : vector<64x512xf32> to vector<1x64x512xf32>
    tpu.vector_store %arg4[%swap3A_66, %swap3A_67, %swap3A_68], %swap3A_71 {strides = array<i32>} : memref<8x64x512xf32, #tpu.memory_space<vmem>>, vector<1x64x512xf32>,
    %slice3A_72 = vector.extract_strided_slice %transpose3A {offsets = [0, 192], sizes = [16, 64], strides = [1, 1]} : vector<128x512xf32> to vector<16x64xf32>
    %slice3A_73 = vector.extract_strided_slice %transpose3A {offsets = [16, 192], sizes = [16, 64], strides = [1, 1]} : vector<128x512xf32> to vector<16x64xf32>
    %slice3A_74 = vector.extract_strided_slice %transpose3A {offsets = [32, 192], sizes = [16, 64], strides = [1, 1]} : vector<128x512xf32> to vector<16x64xf32>
    %slice3A_75 = vector.extract_strided_slice %transpose3A {offsets = [48, 192], sizes = [16, 64], strides = [1, 1]} : vector<128x512xf32> to vector<16x64xf32>
    %slice3A_76 = vector.extract_strided_slice %transpose3A {offsets = [64, 192], sizes = [16, 64], strides = [1, 1]} : vector<128x512xf32> to vector<16x64xf32>
    %slice3A_77 = vector.extract_strided_slice %transpose3A {offsets = [80, 192], sizes = [16, 64], strides = [1, 1]} : vector<128x512xf32> to vector<16x64xf32>
    %slice3A_78 = vector.extract_strided_slice %transpose3A {offsets = [96, 192], sizes = [16, 64], strides = [1, 1]} : vector<128x512xf32> to vector<16x64xf32>
    %slice3A_79 = vector.extract_strided_slice %transpose3A {offsets = [112, 192], sizes = [16, 64], strides = [1, 1]} : vector<128x512xf32> to vector<16x64xf32>
    %concatenate3A_80 = tpu.concatenate %slice3A_72, %slice3A_73, %slice3A_74, %slice3A_75, %slice3A_76, %slice3A_77, %slice3A_78, %slice3A_79 in 1 : vector<16x64xf32>, vector<16x64xf32>, vector<16x64xf32>, vector<16x64xf32>, vector<16x64xf32>, vector<16x64xf32>, vector<16x64xf32>, vector<16x64xf32> -> vector<16x512xf32>
    %get3A_81 = arith.constant 0 : index
    %get3A_82 = arith.constant 0 : index
    %get3A_83 = vector.load %arg2[%get3A_81, %get3A_82] : memref<64x16xf32, #tpu.memory_space<vmem>>, vector<64x16xf32>
    %dot_general3A_84 = arith.constant dense<0.000000e+00> : vector<64x512xf32>
    %dot_general3A_85 = tpu.matmul %get3A_83, %concatenate3A_80, %dot_general3A_84 {dimension_numbers = #tpu.dot_dimension_numbers<[1], [0], [0], [1], [0, 0, 1, 1], [], []>, transpose_lhs_hint = false} : vector<64x16xf32>, vector<16x512xf32>, vector<64x512xf32> -> vector<64x512xf32>
    %get3A_86 = arith.constant 0 : index
    %get3A_87 = arith.constant 0 : index
    %get3A_88 = vector.load %arg3[%get3A_86, %get3A_87] : memref<64x1xf32, #tpu.memory_space<vmem>>, vector<64x1xf32>
    %add3A_89 = vector.broadcast %get3A_88 : vector<64x1xf32> to vector<64x512xf32>
    %add3A_90 = arith.addf %dot_general3A_85, %add3A_89 : vector<64x512xf32>
    %swap3A_91 = arith.constant 3 : index
    %swap3A_92 = arith.constant 0 : index
    %swap3A_93 = arith.constant 0 : index
    %swap3A_94 = vector.load %arg4[%swap3A_91, %swap3A_92, %swap3A_93] : memref<8x64x512xf32, #tpu.memory_space<vmem>>, vector<1x64x512xf32>
    %swap3A_95 = vector.shape_cast %swap3A_94 : vector<1x64x512xf32> to vector<64x512xf32>
    %swap3A_96 = vector.shape_cast %add3A_90 : vector<64x512xf32> to vector<1x64x512xf32>
    tpu.vector_store %arg4[%swap3A_91, %swap3A_92, %swap3A_93], %swap3A_96 {strides = array<i32>} : memref<8x64x512xf32, #tpu.memory_space<vmem>>, vector<1x64x512xf32>,
    %slice3A_97 = vector.extract_strided_slice %transpose3A {offsets = [0, 256], sizes = [16, 64], strides = [1, 1]} : vector<128x512xf32> to vector<16x64xf32>
    %slice3A_98 = vector.extract_strided_slice %transpose3A {offsets = [16, 256], sizes = [16, 64], strides = [1, 1]} : vector<128x512xf32> to vector<16x64xf32>
    %slice3A_99 = vector.extract_strided_slice %transpose3A {offsets = [32, 256], sizes = [16, 64], strides = [1, 1]} : vector<128x512xf32> to vector<16x64xf32>
    %slice3A_100 = vector.extract_strided_slice %transpose3A {offsets = [48, 256], sizes = [16, 64], strides = [1, 1]} : vector<128x512xf32> to vector<16x64xf32>
    %slice3A_101 = vector.extract_strided_slice %transpose3A {offsets = [64, 256], sizes = [16, 64], strides = [1, 1]} : vector<128x512xf32> to vector<16x64xf32>
    %slice3A_102 = vector.extract_strided_slice %transpose3A {offsets = [80, 256], sizes = [16, 64], strides = [1, 1]} : vector<128x512xf32> to vector<16x64xf32>
    %slice3A_103 = vector.extract_strided_slice %transpose3A {offsets = [96, 256], sizes = [16, 64], strides = [1, 1]} : vector<128x512xf32> to vector<16x64xf32>
    %slice3A_104 = vector.extract_strided_slice %transpose3A {offsets = [112, 256], sizes = [16, 64], strides = [1, 1]} : vector<128x512xf32> to vector<16x64xf32>
    %concatenate3A_105 = tpu.concatenate %slice3A_97, %slice3A_98, %slice3A_99, %slice3A_100, %slice3A_101, %slice3A_102, %slice3A_103, %slice3A_104 in 1 : vector<16x64xf32>, vector<16x64xf32>, vector<16x64xf32>, vector<16x64xf32>, vector<16x64xf32>, vector<16x64xf32>, vector<16x64xf32>, vector<16x64xf32> -> vector<16x512xf32>
    %get3A_106 = arith.constant 0 : index
    %get3A_107 = arith.constant 0 : index
    %get3A_108 = vector.load %arg2[%get3A_106, %get3A_107] : memref<64x16xf32, #tpu.memory_space<vmem>>, vector<64x16xf32>
    %dot_general3A_109 = arith.constant dense<0.000000e+00> : vector<64x512xf32>
    %dot_general3A_110 = tpu.matmul %get3A_108, %concatenate3A_105, %dot_general3A_109 {dimension_numbers = #tpu.dot_dimension_numbers<[1], [0], [0], [1], [0, 0, 1, 1], [], []>, transpose_lhs_hint = false} : vector<64x16xf32>, vector<16x512xf32>, vector<64x512xf32> -> vector<64x512xf32>
    %get3A_111 = arith.constant 0 : index
    %get3A_112 = arith.constant 0 : index
    %get3A_113 = vector.load %arg3[%get3A_111, %get3A_112] : memref<64x1xf32, #tpu.memory_space<vmem>>, vector<64x1xf32>
    %add3A_114 = vector.broadcast %get3A_113 : vector<64x1xf32> to vector<64x512xf32>
    %add3A_115 = arith.addf %dot_general3A_110, %add3A_114 : vector<64x512xf32>
    %swap3A_116 = arith.constant 4 : index
    %swap3A_117 = arith.constant 0 : index
    %swap3A_118 = arith.constant 0 : index
    %swap3A_119 = vector.load %arg4[%swap3A_116, %swap3A_117, %swap3A_118] : memref<8x64x512xf32, #tpu.memory_space<vmem>>, vector<1x64x512xf32>
    %swap3A_120 = vector.shape_cast %swap3A_119 : vector<1x64x512xf32> to vector<64x512xf32>
    %swap3A_121 = vector.shape_cast %add3A_115 : vector<64x512xf32> to vector<1x64x512xf32>
    tpu.vector_store %arg4[%swap3A_116, %swap3A_117, %swap3A_118], %swap3A_121 {strides = array<i32>} : memref<8x64x512xf32, #tpu.memory_space<vmem>>, vector<1x64x512xf32>,
    %slice3A_122 = vector.extract_strided_slice %transpose3A {offsets = [0, 320], sizes = [16, 64], strides = [1, 1]} : vector<128x512xf32> to vector<16x64xf32>
    %slice3A_123 = vector.extract_strided_slice %transpose3A {offsets = [16, 320], sizes = [16, 64], strides = [1, 1]} : vector<128x512xf32> to vector<16x64xf32>
    %slice3A_124 = vector.extract_strided_slice %transpose3A {offsets = [32, 320], sizes = [16, 64], strides = [1, 1]} : vector<128x512xf32> to vector<16x64xf32>
    %slice3A_125 = vector.extract_strided_slice %transpose3A {offsets = [48, 320], sizes = [16, 64], strides = [1, 1]} : vector<128x512xf32> to vector<16x64xf32>
    %slice3A_126 = vector.extract_strided_slice %transpose3A {offsets = [64, 320], sizes = [16, 64], strides = [1, 1]} : vector<128x512xf32> to vector<16x64xf32>
    %slice3A_127 = vector.extract_strided_slice %transpose3A {offsets = [80, 320], sizes = [16, 64], strides = [1, 1]} : vector<128x512xf32> to vector<16x64xf32>
    %slice3A_128 = vector.extract_strided_slice %transpose3A {offsets = [96, 320], sizes = [16, 64], strides = [1, 1]} : vector<128x512xf32> to vector<16x64xf32>
    %slice3A_129 = vector.extract_strided_slice %transpose3A {offsets = [112, 320], sizes = [16, 64], strides = [1, 1]} : vector<128x512xf32> to vector<16x64xf32>
    %concatenate3A_130 = tpu.concatenate %slice3A_122, %slice3A_123, %slice3A_124, %slice3A_125, %slice3A_126, %slice3A_127, %slice3A_128, %slice3A_129 in 1 : vector<16x64xf32>, vector<16x64xf32>, vector<16x64xf32>, vector<16x64xf32>, vector<16x64xf32>, vector<16x64xf32>, vector<16x64xf32>, vector<16x64xf32> -> vector<16x512xf32>
    %get3A_131 = arith.constant 0 : index
    %get3A_132 = arith.constant 0 : index
    %get3A_133 = vector.load %arg2[%get3A_131, %get3A_132] : memref<64x16xf32, #tpu.memory_space<vmem>>, vector<64x16xf32>
    %dot_general3A_134 = arith.constant dense<0.000000e+00> : vector<64x512xf32>
    %dot_general3A_135 = tpu.matmul %get3A_133, %concatenate3A_130, %dot_general3A_134 {dimension_numbers = #tpu.dot_dimension_numbers<[1], [0], [0], [1], [0, 0, 1, 1], [], []>, transpose_lhs_hint = false} : vector<64x16xf32>, vector<16x512xf32>, vector<64x512xf32> -> vector<64x512xf32>
    %get3A_136 = arith.constant 0 : index
    %get3A_137 = arith.constant 0 : index
    %get3A_138 = vector.load %arg3[%get3A_136, %get3A_137] : memref<64x1xf32, #tpu.memory_space<vmem>>, vector<64x1xf32>
    %add3A_139 = vector.broadcast %get3A_138 : vector<64x1xf32> to vector<64x512xf32>
    %add3A_140 = arith.addf %dot_general3A_135, %add3A_139 : vector<64x512xf32>
    %swap3A_141 = arith.constant 5 : index
    %swap3A_142 = arith.constant 0 : index
    %swap3A_143 = arith.constant 0 : index
    %swap3A_144 = vector.load %arg4[%swap3A_141, %swap3A_142, %swap3A_143] : memref<8x64x512xf32, #tpu.memory_space<vmem>>, vector<1x64x512xf32>
    %swap3A_145 = vector.shape_cast %swap3A_144 : vector<1x64x512xf32> to vector<64x512xf32>
    %swap3A_146 = vector.shape_cast %add3A_140 : vector<64x512xf32> to vector<1x64x512xf32>
    tpu.vector_store %arg4[%swap3A_141, %swap3A_142, %swap3A_143], %swap3A_146 {strides = array<i32>} : memref<8x64x512xf32, #tpu.memory_space<vmem>>, vector<1x64x512xf32>,
    %slice3A_147 = vector.extract_strided_slice %transpose3A {offsets = [0, 384], sizes = [16, 64], strides = [1, 1]} : vector<128x512xf32> to vector<16x64xf32>
    %slice3A_148 = vector.extract_strided_slice %transpose3A {offsets = [16, 384], sizes = [16, 64], strides = [1, 1]} : vector<128x512xf32> to vector<16x64xf32>
    %slice3A_149 = vector.extract_strided_slice %transpose3A {offsets = [32, 384], sizes = [16, 64], strides = [1, 1]} : vector<128x512xf32> to vector<16x64xf32>
    %slice3A_150 = vector.extract_strided_slice %transpose3A {offsets = [48, 384], sizes = [16, 64], strides = [1, 1]} : vector<128x512xf32> to vector<16x64xf32>
    %slice3A_151 = vector.extract_strided_slice %transpose3A {offsets = [64, 384], sizes = [16, 64], strides = [1, 1]} : vector<128x512xf32> to vector<16x64xf32>
    %slice3A_152 = vector.extract_strided_slice %transpose3A {offsets = [80, 384], sizes = [16, 64], strides = [1, 1]} : vector<128x512xf32> to vector<16x64xf32>
    %slice3A_153 = vector.extract_strided_slice %transpose3A {offsets = [96, 384], sizes = [16, 64], strides = [1, 1]} : vector<128x512xf32> to vector<16x64xf32>
    %slice3A_154 = vector.extract_strided_slice %transpose3A {offsets = [112, 384], sizes = [16, 64], strides = [1, 1]} : vector<128x512xf32> to vector<16x64xf32>
    %concatenate3A_155 = tpu.concatenate %slice3A_147, %slice3A_148, %slice3A_149, %slice3A_150, %slice3A_151, %slice3A_152, %slice3A_153, %slice3A_154 in 1 : vector<16x64xf32>, vector<16x64xf32>, vector<16x64xf32>, vector<16x64xf32>, vector<16x64xf32>, vector<16x64xf32>, vector<16x64xf32>, vector<16x64xf32> -> vector<16x512xf32>
    %get3A_156 = arith.constant 0 : index
    %get3A_157 = arith.constant 0 : index
    %get3A_158 = vector.load %arg2[%get3A_156, %get3A_157] : memref<64x16xf32, #tpu.memory_space<vmem>>, vector<64x16xf32>
    %dot_general3A_159 = arith.constant dense<0.000000e+00> : vector<64x512xf32>
    %dot_general3A_160 = tpu.matmul %get3A_158, %concatenate3A_155, %dot_general3A_159 {dimension_numbers = #tpu.dot_dimension_numbers<[1], [0], [0], [1], [0, 0, 1, 1], [], []>, transpose_lhs_hint = false} : vector<64x16xf32>, vector<16x512xf32>, vector<64x512xf32> -> vector<64x512xf32>
    %get3A_161 = arith.constant 0 : index
    %get3A_162 = arith.constant 0 : index
    %get3A_163 = vector.load %arg3[%get3A_161, %get3A_162] : memref<64x1xf32, #tpu.memory_space<vmem>>, vector<64x1xf32>
    %add3A_164 = vector.broadcast %get3A_163 : vector<64x1xf32> to vector<64x512xf32>
    %add3A_165 = arith.addf %dot_general3A_160, %add3A_164 : vector<64x512xf32>
    %swap3A_166 = arith.constant 6 : index
    %swap3A_167 = arith.constant 0 : index
    %swap3A_168 = arith.constant 0 : index
    %swap3A_169 = vector.load %arg4[%swap3A_166, %swap3A_167, %swap3A_168] : memref<8x64x512xf32, #tpu.memory_space<vmem>>, vector<1x64x512xf32>
    %swap3A_170 = vector.shape_cast %swap3A_169 : vector<1x64x512xf32> to vector<64x512xf32>
    %swap3A_171 = vector.shape_cast %add3A_165 : vector<64x512xf32> to vector<1x64x512xf32>
    tpu.vector_store %arg4[%swap3A_166, %swap3A_167, %swap3A_168], %swap3A_171 {strides = array<i32>} : memref<8x64x512xf32, #tpu.memory_space<vmem>>, vector<1x64x512xf32>,
    %slice3A_172 = vector.extract_strided_slice %transpose3A {offsets = [0, 448], sizes = [16, 64], strides = [1, 1]} : vector<128x512xf32> to vector<16x64xf32>
    %slice3A_173 = vector.extract_strided_slice %transpose3A {offsets = [16, 448], sizes = [16, 64], strides = [1, 1]} : vector<128x512xf32> to vector<16x64xf32>
    %slice3A_174 = vector.extract_strided_slice %transpose3A {offsets = [32, 448], sizes = [16, 64], strides = [1, 1]} : vector<128x512xf32> to vector<16x64xf32>
    %slice3A_175 = vector.extract_strided_slice %transpose3A {offsets = [48, 448], sizes = [16, 64], strides = [1, 1]} : vector<128x512xf32> to vector<16x64xf32>
    %slice3A_176 = vector.extract_strided_slice %transpose3A {offsets = [64, 448], sizes = [16, 64], strides = [1, 1]} : vector<128x512xf32> to vector<16x64xf32>
    %slice3A_177 = vector.extract_strided_slice %transpose3A {offsets = [80, 448], sizes = [16, 64], strides = [1, 1]} : vector<128x512xf32> to vector<16x64xf32>
    %slice3A_178 = vector.extract_strided_slice %transpose3A {offsets = [96, 448], sizes = [16, 64], strides = [1, 1]} : vector<128x512xf32> to vector<16x64xf32>
    %slice3A_179 = vector.extract_strided_slice %transpose3A {offsets = [112, 448], sizes = [16, 64], strides = [1, 1]} : vector<128x512xf32> to vector<16x64xf32>
    %concatenate3A_180 = tpu.concatenate %slice3A_172, %slice3A_173, %slice3A_174, %slice3A_175, %slice3A_176, %slice3A_177, %slice3A_178, %slice3A_179 in 1 : vector<16x64xf32>, vector<16x64xf32>, vector<16x64xf32>, vector<16x64xf32>, vector<16x64xf32>, vector<16x64xf32>, vector<16x64xf32>, vector<16x64xf32> -> vector<16x512xf32>
    %get3A_181 = arith.constant 0 : index
    %get3A_182 = arith.constant 0 : index
    %get3A_183 = vector.load %arg2[%get3A_181, %get3A_182] : memref<64x16xf32, #tpu.memory_space<vmem>>, vector<64x16xf32>
    %dot_general3A_184 = arith.constant dense<0.000000e+00> : vector<64x512xf32>
    %dot_general3A_185 = tpu.matmul %get3A_183, %concatenate3A_180, %dot_general3A_184 {dimension_numbers = #tpu.dot_dimension_numbers<[1], [0], [0], [1], [0, 0, 1, 1], [], []>, transpose_lhs_hint = false} : vector<64x16xf32>, vector<16x512xf32>, vector<64x512xf32> -> vector<64x512xf32>
    %get3A_186 = arith.constant 0 : index
    %get3A_187 = arith.constant 0 : index
    %get3A_188 = vector.load %arg3[%get3A_186, %get3A_187] : memref<64x1xf32, #tpu.memory_space<vmem>>, vector<64x1xf32>
    %add3A_189 = vector.broadcast %get3A_188 : vector<64x1xf32> to vector<64x512xf32>
    %add3A_190 = arith.addf %dot_general3A_185, %add3A_189 : vector<64x512xf32>
    %swap3A_191 = arith.constant 7 : index
    %swap3A_192 = arith.constant 0 : index
    %swap3A_193 = arith.constant 0 : index
    %swap3A_194 = vector.load %arg4[%swap3A_191, %swap3A_192, %swap3A_193] : memref<8x64x512xf32, #tpu.memory_space<vmem>>, vector<1x64x512xf32>
    %swap3A_195 = vector.shape_cast %swap3A_194 : vector<1x64x512xf32> to vector<64x512xf32>
    %swap3A_196 = vector.shape_cast %add3A_190 : vector<64x512xf32> to vector<1x64x512xf32>
    tpu.vector_store %arg4[%swap3A_191, %swap3A_192, %swap3A_193], %swap3A_196 {strides = array<i32>} : memref<8x64x512xf32, #tpu.memory_space<vmem>>, vector<1x64x512xf32>,
    return
  }
  func.func @transform_0(%arg0: i32) -> (i32, i32) {
    %c0_i32 = arith.constant 0 : i32
    %c0_i32_0 = arith.constant 0 : i32
    return %arg0, %c0_i32 : i32, i32
  }
  func.func @transform_1(%arg0: i32) -> (i32, i32) {
    %c0_i32 = arith.constant 0 : i32
    %c0_i32_0 = arith.constant 0 : i32
    %c0_i32_1 = arith.constant 0 : i32
    return %c0_i32, %c0_i32_0 : i32, i32
  }
  func.func @transform_2(%arg0: i32) -> (i32, i32) {
    %c0_i32 = arith.constant 0 : i32
    %c0_i32_0 = arith.constant 0 : i32
    %c0_i32_1 = arith.constant 0 : i32
    return %c0_i32, %c0_i32_0 : i32, i32
  }
  func.func @transform_3(%arg0: i32) -> (i32, i32, i32) {
    %c0_i32 = arith.constant 0 : i32
    %c0_i32_0 = arith.constant 0 : i32
    %c0_i32_1 = arith.constant 0 : i32
    return %arg0, %c0_i32, %c0_i32_0 : i32, i32, i32
  }
}

</mosaic_0001>

<sc_bundles>
// kernel: kernel.6.cloned.1.call-start
scs
__scs_entry_jumppad:
0x0: {  	(pc) =	sbr.rel $0x88, $3  }
0x1: {  	(tag) =	ssettag $0x0;
	lr =	simm.s32 $0x1  }
0x2: {  	[smem:$0x3F9D] =	sst lr;
	_ =	strace $0xD0000000  }
0x3: {  	_ = 	snop  }
0x4: {  	_ = 	snop  }
0x5: {  	_ = 	snop  }
0x6: {  	_ = 	snop  }
0x7: {  	_ = 	snop  }
__scs_overlays_trampoline_lowered:
0x8: {  	[smem:$0x3FAC] =	sst s0  }
0x9: {  	[smem:$0x3FAD] =	sst s1  }
0xa: {  	[smem:$0x3FAE] =	sst s2  }
0xb: {  	[smem:$0x3FAF] =	sst s3  }
0xc: {  	[smem:$0x3FB0] =	sst s4  }
0xd: {  	[smem:$0x3FB1] =	sst s5  }
0xe: {  	[smem:$0x3FB2] =	sst s6  }
0xf: {  	[smem:$0x3FB3] =	sst s7  }
0x10: {  	[smem:$0x3FB4] =	sst s8  }
0x11: {  	[smem:$0x3FB5] =	sst s9;
	s0 =	simm.s32 @!p0 $0x0  }
0x12: {  	s1 =	sld [smem:$0x3F9B];
	s0 =	simm.s32 @p0 $0x1  }
0x13: {  	[smem:$0x3FB6] =	sst s0;
	s0 =	simm.s32 @!p1 $0x0  }
0x14: {  	s2 =	sld [smem:$0x3F9A];
	s0 =	simm.s32 @p1 $0x1  }
0x15: {  	[smem:$0x3FB7] =	sst s0;
	s0 =	simm.s32 @!p2 $0x0  }
0x16: {  	s3 =	sld [smem:$0x3FDB];
	s0 =	simm.s32 @p2 $0x1  }
0x17: {  	s4 =	simm.s32 $0x1BF5;
	[smem:$0x3FB9] =	sst s0  }
0x18: {  	s0 =	sld [smem:$0x3F9C];
	_ =	swait.ge [sflag:s4], $0x0  }
0x19: {  	s7 =	sld [smem:$0x3F9D]  }
0x1a: {  	s8 =	sadd.s32 $0xFFFFE003, lr  }
0x1b: {  	s9 =	sadd.s32 $0xFFFFFEF7, lr;
	s5 =	simm.s32 $0xFFFFFFFF;
	p2 =	slt.u32 s8, $0xFFFFF086  }
0x1c: {  	p1 =	slt.u32 s9, $0xF7A;
	s5 =	simm.s32 @!p2 $0x0  }
0x1d: {  	s5 =	simm.s32 @p1 $0x1;
	p0 =	seq.s32 s7, s2  }
0x1e: {  	s7 =	smul.u32 @!p0 $0xF7A, s2;
	p2 =	seq.s32 @!p0 s5, $0x0  }
0x1f: {  	s9 =	smul.u32 $0xF7A, s1;
	s8 =	simm.s32 @!p0 $0x1BF5;
	p2 =	por !p2, p0  }
0x20: {  	[sflag:s8] =	ssyncset.s32 @!p0 $0xFFFFF086;
	s6 =	sadd.s32 @!p0 s3, s7;
	s7 =	simm.s32 @!p0 $0x108  }
0x21: {  	s3 =	sadd.s32 s3, s9;
	s6 =	sadd.s32 @!p0 $0x88, s6;
	s7 =	simm.s32 @p2 $0x1082  }
0x22: {  	[simem:s7], [sflag:s8] =	dma.local @!p0 [hbm:s6], $0xF7A  }
0x23: {  	s9 =	sor.u32 $0xD0000000, s2;
	s6 =	simm.s32 $0x108;
	_ =	swait.ge @!p0 [sflag:s8], $0x0  }
0x24: {  	s3 =	sadd.s32 $0x88, s3;
	s6 =	simm.s32 @!p1 $0x1082;
	[sflag:s4] =	ssyncset.s32 $0xFFFFF086  }
0x25: {  	[simem:s6], [sflag:s4] =	dma.local [hbm:s3], $0xF7A  }
0x26: {  	[smem:$0x3F9D] =	sst s1;
	(tag) =	ssettag s2;
	_ =	strace s9  }
0x27: {  	s1 =	sld [smem:$0x3FAD]  }
0x28: {  	s2 =	sld [smem:$0x3FAE]  }
0x29: {  	s4 =	sld [smem:$0x3FB0]  }
0x2a: {  	p0 =	seq.s32 s5, $0x0;
	s5 =	sld [smem:$0x3FB1]  }
0x2b: {  	s6 =	sld [smem:$0x3FB2]  }
0x2c: {  	s7 =	sld [smem:$0x3FB3]  }
0x2d: {  	s3 =	simm.s32 $0x108;
	s8 =	sld [smem:$0x3FB4]  }
0x2e: {  	s3 =	simm.s32 @!p0 $0x1082;
	s9 =	sld [smem:$0x3FB5]  }
0x2f: {  	lr =	sadd.s32 s0, s3;
	s0 =	sld [smem:$0x3FAC]  }
0x30: {  	s3 =	sld [smem:$0x3FAF]  }
0x31: {  	[smem:$0x3FB8] =	sst s10  }
0x32: {  	s10 =	sld [smem:$0x3FB6];
	_ =	sdelay $0x3  }
0x33: {  	p0 =	seq.s32 s10, $0x1;
	s10 =	sld [smem:$0x3FB8];
	_ =	sdelay $0x3  }
0x34: {  	[smem:$0x3FB8] =	sst s10  }
0x35: {  	s10 =	sld [smem:$0x3FB7];
	_ =	sdelay $0x3  }
0x36: {  	p1 =	seq.s32 s10, $0x1;
	s10 =	sld [smem:$0x3FB8];
	_ =	sdelay $0x3  }
0x37: {  	[smem:$0x3FB8] =	sst s10  }
0x38: {  	s10 =	sld [smem:$0x3FB9]  }
0x39: {  	_ = 	snop;
	(pc) =	sbr.ind lr, $3  }
0x3a: {  	_ = 	snop  }
0x3b: {  	_ = 	snop  }
0x3c: {  	p2 =	seq.s32 s10, $0x1;
	s10 =	sld [smem:$0x3FB8]  }
0x3d: {  	_ =	shalt  }
0x3e: {  	_ =	shalt  }
0x3f: {  	_ =	shalt  }
0x40: {  	_ =	shalt  }
0x41: {  	_ =	shalt  }
0x42: {  	_ =	shalt  }
0x43: {  	_ =	shalt  }
0x44: {  	_ =	shalt  }
0x45: {  	_ =	shalt  }
0x46: {  	_ =	shalt  }
0x47: {  	_ =	shalt  }
0x48: {  	_ =	shalt  }
0x49: {  	_ =	shalt  }
0x4a: {  	_ =	shalt  }
0x4b: {  	_ =	shalt  }
0x4c: {  	_ =	shalt  }
0x4d: {  	_ =	shalt  }
0x4e: {  	_ =	shalt  }
0x4f: {  	_ =	shalt  }
0x50: {  	_ =	shalt  }
0x51: {  	_ =	shalt  }
0x52: {  	_ =	shalt  }
0x53: {  	_ =	shalt  }
0x54: {  	_ =	shalt  }
0x55: {  	_ =	shalt  }
0x56: {  	_ =	shalt  }
0x57: {  	_ =	shalt  }
0x58: {  	_ =	shalt  }
0x59: {  	_ =	shalt  }
0x5a: {  	_ =	shalt  }
0x5b: {  	_ =	shalt  }
0x5c: {  	_ =	shalt  }
0x5d: {  	_ =	shalt  }
0x5e: {  	_ =	shalt  }
0x5f: {  	_ =	shalt  }
0x60: {  	_ =	shalt  }
0x61: {  	_ =	shalt  }
0x62: {  	_ =	shalt  }
0x63: {  	_ =	shalt  }
0x64: {  	_ =	shalt  }
0x65: {  	_ =	shalt  }
0x66: {  	_ =	shalt  }
0x67: {  	_ =	shalt  }
0x68: {  	_ =	shalt  }
0x69: {  	_ =	shalt  }
0x6a: {  	_ =	shalt  }
0x6b: {  	_ =	shalt  }
0x6c: {  	_ =	shalt  }
0x6d: {  	_ =	shalt  }
0x6e: {  	_ =	shalt  }
0x6f: {  	_ =	shalt  }
0x70: {  	_ =	shalt  }
0x71: {  	_ =	shalt  }
0x72: {  	_ =	shalt  }
0x73: {  	_ =	shalt  }
0x74: {  	_ =	shalt  }
0x75: {  	_ =	shalt  }
0x76: {  	_ =	shalt  }
0x77: {  	_ =	shalt  }
0x78: {  	_ =	shalt  }
0x79: {  	_ =	shalt  }
0x7a: {  	_ =	shalt  }
0x7b: {  	_ =	shalt  }
0x7c: {  	_ =	shalt  }
0x7d: {  	_ =	shalt  }
0x7e: {  	_ =	shalt  }
0x7f: {  	_ =	shalt  }
0x80: {  	_ =	shalt  }
0x81: {  	_ =	shalt  }
0x82: {  	_ =	shalt  }
0x83: {  	_ =	shalt  }
0x84: {  	_ =	shalt  }
0x85: {  	_ =	shalt  }
0x86: {  	_ =	shalt  }
0x87: {  	_ =	shalt  }
.Lfunc_end0:
.L_simem_size_0:
called_computation_lowered:
.L_overlay_start_0:
0x88: {  	s2 =	sld [smem:$0x3FD9]  }
0x89: {  	s3 =	sld [smem:$0x3FFE];
	_ =	sdelay $0x1  }
0x8a: {  	s1 =	srdreg.scid  }
0x8b: {  	s0 =	sand.u32 $0x1, s1  }
0x8c: {  	s17 =	sshll.u32 s0, $0xA;
	s2 =	sadd.s32 s3, s2  }
0x8d: {  	s2 =	sadd.s32 s2, s17  }
0x8e: {  	[smem:$0x3FC4] =	sst s2  }
0x8f: {  	_ = 	snop  }
0x90: {  	s2 =	sld [smem:$0x3FD0];
	(tm) =	ssettm $0x1  }
0x91: {  	s18 =	sld [smem:$0x3FFB];
	_ =	sdelay $0x3  }
0x92: {  	_ =	strace s18  }
0x93: {  	s3 =	sld [smem:$0x3FFC];
	_ =	sdelay $0x3  }
0x94: {  	_ =	strace s3  }
0x95: {  	s3 =	sld [smem:$0x3FFD];
	_ =	sdelay $0x3  }
0x96: {  	_ =	strace s3  }
0x97: {  	_ =	strace $0x8FFFFFFF  }
0x98: {  	s19 =	sld [smem:$0x3FDB];
	_ =	sdelay $0x1  }
0x99: {  	s4 =	simm.s32 $_scs_section_size  }
0x9a: {  	s5 =	simm.s32 $_size__tile_overlayer_lowered;
	s6 =	simm.s32 $_tile_overlayer_lowered  }
0x9b: {  	s22 =	simm.s32 $0x1BFF;
	s21 =	sshll.u32 s6, $0x1;
	s3 =	sadd.s32 s4, s19  }
0x9c: {  	s7 =	simm.s32 $0x0;
	s20 =	sshll.u32 s5, $0x1;
	s5 =	sadd.s32 s21, s3  }
0x9d: {  	[timem:s7], [sflag:s22] =	dma.local [hbm:s5], s20  }
0x9e: {  	_ =	swait.ge [sflag:s22], s20  }
0x9f: {  	s4 =	ssub.s32 $0x0, s20;
	[sflag:s22] =	ssyncset.done $0x0  }
0xa0: {  	[sflag:s22] =	ssyncadd.s32 s4;
	_ =	sdelay $0x1  }
0xa1: {  	s23 =	simm.s32 $0x1B8B  }
0xa2: {  	_ =	swait.ge [sflag:s23], $0x1  }
0xa3: {  	[sflag:s23] =	ssyncset.done $0x0  }
0xa4: {  	s25 =	simm.s32 $0x1B8E;
	s24 =	sld [smem:$0x3FFE];
	[sflag:s23] =	ssyncadd.s32 $0xFFFFFFFF  }
0xa5: {  	s26 =	simm.s32 $execute0_lowered;
	[smem:$0x3FD2] =	sst s25  }
0xa6: {  	s5 =	sshll.u32 s26, $0x1;
	_ =	strace $0x80000046;
	[dreg:$0x1] =	wrdreg $0xFFFFFFFF  }
0xa7: {  	s28 =	simm.s32 $_size_execute0_lowered;
	s3 =	sadd.s32 s3, s5;
	[dreg:$0x0] =	wrdreg $0x0  }
0xa8: {  	s5 =	sshll.u32 s28, $0x1;
	[dreg:$0x2] =	wrdreg s3  }
0xa9: {  	[dreg:$0x3] =	wrdreg s5  }
0xaa: {  	[dreg:$0x4] =	wrdreg $0xC0  }
0xab: {  	_ =	task [dreg:s7], $0x5FFFF  }
0xac: {  	[dreg:$0x1] =	wrdreg $0xFFFFFFFF  }
0xad: {  	[dreg:$0x0] =	wrdreg $0x60  }
0xae: {  	[dreg:$0x2] =	wrdreg s24  }
0xaf: {  	[dreg:$0x3] =	wrdreg s2  }
0xb0: {  	[dreg:$0x4] =	wrdreg $0x9  }
0xb1: {  	_ =	task.clear_ibuf [dreg:s7], $0x5FFFF;
	_ =	strace $0x90000046  }
0xb2: {  	s29 =	simm.s32 $0x9;
	_ =	strace $0x80000048  }
0xb3: {  	_ =	swait.ge [sflag:s29], $0x1  }
0xb4: {  	[sflag:s29] =	ssyncadd.s32 $0xFFFFFFFF  }
0xb5: {  	_ =	strace $0x90000048  }
0xb6: {  	_ =	sfence  }
0xb7: {  	s30 =	sld [smem:$0x0];
	_ =	sdelay $0x2  }
0xb8: {  	s31 =	sshll.u32 s1, $0xD;
	s1 =	sshrl.u32 s1, $0x2  }
0xb9: {  	s3 =	sand.u32 $0x4000, s31;
	s1 =	sadd.s32 s1, s30  }
0xba: {  	s0 =	sor.u32 s3, s0;
	s1 =	sshll.u32 s1, $0x11  }
0xbb: {  	s0 =	sor.u32 s1, s0  }
0xbc: {  	s0 =	sadd.s32 $0x8F2B, s0  }
0xbd: {  	[sflag:s0] =	ssyncadd.remote.s32 $0x1  }
0xbe: {  	_ =	sfence.sel $0xFFFF  }
0xbf: {  	[dreg:$0x0] =	wrdreg $0xFFFFFFFF;
	(pc) =	sbr.abs _section_cstart, $3  }
0xc0: {  	[dreg:$0x1] =	wrdreg $0xFFFFFFFF  }
0xc1: {  	_ =	task.clear_ibuf [dreg:s7], $0x2FFFF;
	_ =	strace $0x9FFFFFFF  }
0xc2: {  	(tm) =	ssettm $0x7FFFFFFF  }
0xc3: {  	_ =	shalt  }
tec
execute0_lowered:
.L_overlay_start_1:
0x0: {  	(tag) =	ssettag $0x1  }
0x1: {  	s1 =	srdreg.scid  }
0x2: {  	s0 =	stileid.u32;
	s1 =	sand.u32 $0x1, s1  }
0x3: {  	s4 =	rddreg [dreg:$0x0];
	s2 =	sshll.u32 s0, $0xD;
	s3 =	sshll.u32 s1, $0xC  }
0x4: {  	s5 =	rddreg [dreg:$0x1];
	s3 =	sor.u32 s3, s2;
	s2 =	simm.s32 $0x0  }
0x5: {  	s11 =	simm.s32 $0x1800;
	[smem:$0x7FF] =	sst s2  }
0x6: {  	s12 =	simm.s32 $0x100;
	_ =	strace $0x80000047;
	[dreg:$0x5] =	wrdreg s11  }
0x7: {  	s13 =	simm.s32 $0x2000;
	[dreg:$0x6] =	wrdreg s12  }
0x8: {  	s14 =	simm.s32 $0x180;
	[dreg:$0x7] =	wrdreg s13  }
0x9: {  	s15 =	simm.s32 $0x2800;
	[dreg:$0x8] =	wrdreg s14  }
0xa: {  	s16 =	simm.s32 $0x200;
	[dreg:$0x9] =	wrdreg s15  }
0xb: {  	s17 =	simm.s32 $0x3000;
	[dreg:$0xa] =	wrdreg s16  }
0xc: {  	s18 =	simm.s32 $0x280;
	[dreg:$0xb] =	wrdreg s17  }
0xd: {  	s19 =	simm.s32 $0x3800;
	[dreg:$0xc] =	wrdreg s18  }
0xe: {  	s20 =	simm.s32 $0x300;
	[dreg:$0xd] =	wrdreg s19  }
0xf: {  	s21 =	simm.s32 $0x4000;
	[dreg:$0xe] =	wrdreg s20  }
0x10: {  	s22 =	simm.s32 $0x380;
	[dreg:$0xf] =	wrdreg s21  }
0x11: {  	s23 =	simm.s32 $0x4800;
	[dreg:$0x10] =	wrdreg s22  }
0x12: {  	s24 =	simm.s32 $0x400;
	[dreg:$0x11] =	wrdreg s23  }
0x13: {  	s25 =	simm.s32 $0x5000;
	[dreg:$0x12] =	wrdreg s24  }
0x14: {  	s26 =	simm.s32 $0x480;
	[dreg:$0x13] =	wrdreg s25  }
0x15: {  	s0 =	simm.s32 $0x5800;
	[dreg:$0x14] =	wrdreg s26  }
0x16: {  	s7 =	simm.s32 $0x580;
	[dreg:$0x15] =	wrdreg s0  }
0x17: {  	s8 =	simm.s32 $0x6800;
	[dreg:$0x18] =	wrdreg s7  }
0x18: {  	s9 =	simm.s32 $0x600;
	s10 =	simm.s32 $0x7000;
	[dreg:$0x19] =	wrdreg s8  }
0x19: {  	s6 =	sshrl.u32 s3, $0x3;
	s3 =	sshll.u32 s3, $0x1;
	[dreg:$0x1a] =	wrdreg s9  }
0x1a: {  	s3 =	sadd.s32 s5, s3;
	[dreg:$0x1b] =	wrdreg s10  }
0x1b: {  	s5 =	simm.s32 $0x500;
	[dreg:$0x4] =	wrdreg s3  }
0x1c: {  	s11 =	simm.s32 $0x680;
	[dreg:$0x16] =	wrdreg s5  }
0x1d: {  	s12 =	simm.s32 $0x7800;
	[dreg:$0x1c] =	wrdreg s11  }
0x1e: {  	s13 =	simm.s32 $0x700;
	[dreg:$0x1d] =	wrdreg s12  }
0x1f: {  	s14 =	simm.s32 $0x8000;
	[dreg:$0x1e] =	wrdreg s13  }
0x20: {  	s15 =	simm.s32 $0x780;
	[dreg:$0x1f] =	wrdreg s14  }
0x21: {  	s16 =	simm.s32 $0x8800;
	[smem:$0x7F4] =	sst s15  }
0x22: {  	s17 =	simm.s32 $0x800;
	[smem:$0x7F3] =	sst s16  }
0x23: {  	s18 =	simm.s32 $0x9000;
	[smem:$0x7F6] =	sst s17  }
0x24: {  	s19 =	simm.s32 $0x880;
	[smem:$0x7F8] =	sst s18  }
0x25: {  	s20 =	simm.s32 $0x9800;
	[smem:$0x7F9] =	sst s19  }
0x26: {  	s21 =	simm.s32 $0x900;
	[smem:$0x7F5] =	sst s20  }
0x27: {  	s22 =	simm.s32 $0xA000;
	[smem:$0x7FA] =	sst s21  }
0x28: {  	s23 =	simm.s32 $0x980;
	[smem:$0x7F7] =	sst s22  }
0x29: {  	s24 =	simm.s32 $0xA800;
	[smem:$0x7FB] =	sst s23  }
0x2a: {  	s6 =	sadd.s32 s6, s4;
	s26 =	simm.s32 $0xA00;
	[smem:$0x7FC] =	sst s24  }
0x2b: {  	s6 =	sadd.s32 $0x1F0A00, s6;
	[smem:$0x7FD] =	sst s26  }
0x2c: {  	[dreg:$0x3] =	wrdreg s6;
	s6 =	simm.s32 $0x6000  }
0x2d: {  	[dreg:$0x17] =	wrdreg s6  }
0x2e: {  	s3 =	simm.s32 $0x2;
	s25 =	rddreg [dreg:$0x3]  }
0x2f: {  	[tilespmem:s2], [sflag:$0x2] =	stream.linear.gather [hbm4b:s25+s2], $0x1000, $0x38;
	[tilespmem:$0x11000] =	vst v63  }
0x30: {  	_ =	swait.ge [sflag:s3], $0x1000  }
0x31: {  	s7 =	rddreg [dreg:$0x8]  }
0x32: {  	s8 =	rddreg [dreg:$0xb]  }
0x33: {  	s9 =	rddreg [dreg:$0xd]  }
0x34: {  	s5 =	sadd.s32 $0xA00, s4;
	s10 =	rddreg [dreg:$0x6]  }
0x35: {  	s4 =	simm.s32 $0x1000;
	[sflag:s3] =	ssyncset.done $0x0;
	s11 =	rddreg [dreg:$0x5]  }
0x36: {  	s6 =	simm.s32 $0x80;
	s12 =	rddreg [dreg:$0x7];
	[sflag:s3] =	ssyncadd.s32 $0xFFFFF000  }
0x37: {  	[tilespmem:s4], [sflag:$0x1] =	stream.indirect.gather [hbm4b:s5+s6], $0x10, s2, s6, $0xb8;
	[tilespmem:$0x11000] =	vst v63  }
0x38: {  	s13 =	rddreg [dreg:$0x9]  }
0x39: {  	[tilespmem:s11], [sflag:$0x1] =	stream.indirect.gather [hbm4b:s5+s6], $0x10, s6, s6, $0xb8;
	[tilespmem:$0x11000] =	vst v63  }
0x3a: {  	s14 =	rddreg [dreg:$0xa]  }
0x3b: {  	[tilespmem:s12], [sflag:$0x1] =	stream.indirect.gather [hbm4b:s5+s6], $0x10, s10, s6, $0xb8;
	[tilespmem:$0x11000] =	vst v63  }
0x3c: {  	s0 =	rddreg [dreg:$0xc]  }
0x3d: {  	[tilespmem:s13], [sflag:$0x1] =	stream.indirect.gather [hbm4b:s5+s6], $0x10, s7, s6, $0xb8;
	[tilespmem:$0x11000] =	vst v63  }
0x3e: {  	s15 =	rddreg [dreg:$0xf]  }
0x3f: {  	[tilespmem:s8], [sflag:$0x1] =	stream.indirect.gather [hbm4b:s5+s6], $0x10, s14, s6, $0xb8;
	[tilespmem:$0x11000] =	vst v63  }
0x40: {  	s16 =	rddreg [dreg:$0xe]  }
0x41: {  	[tilespmem:s9], [sflag:$0x1] =	stream.indirect.gather [hbm4b:s5+s6], $0x10, s0, s6, $0xb8;
	[tilespmem:$0x11000] =	vst v63  }
0x42: {  	s17 =	rddreg [dreg:$0x10]  }
0x43: {  	[tilespmem:s15], [sflag:$0x1] =	stream.indirect.gather [hbm4b:s5+s6], $0x10, s16, s6, $0xb8;
	[tilespmem:$0x11000] =	vst v63  }
0x44: {  	s18 =	rddreg [dreg:$0x11];
	s7 =	simm.s32 $0x1  }
0x45: {  	[tilespmem:s18], [sflag:$0x1] =	stream.indirect.gather [hbm4b:s5+s6], $0x10, s17, s6, $0xb8;
	[tilespmem:$0x11000] =	vst v63  }
0x46: {  	_ =	swait.ge [sflag:s7], $0x800  }
0x47: {  	[sflag:s7] =	ssyncset.done $0x0  }
0x48: {  	[sflag:s7] =	ssyncadd.s32 $0xFFFFF800  }
0x49: {  	_ =	swait.ge [sflag:s7], $0x800  }
0x4a: {  	[sflag:s7] =	ssyncset.done $0x0  }
0x4b: {  	[sflag:s7] =	ssyncadd.s32 $0xFFFFF800  }
0x4c: {  	_ =	swait.ge [sflag:s7], $0x800  }
0x4d: {  	[sflag:s7] =	ssyncset.done $0x0  }
0x4e: {  	[sflag:s7] =	ssyncadd.s32 $0xFFFFF800  }
0x4f: {  	_ =	swait.ge [sflag:s7], $0x800  }
0x50: {  	[sflag:s7] =	ssyncset.done $0x0  }
0x51: {  	[sflag:s7] =	ssyncadd.s32 $0xFFFFF800  }
0x52: {  	_ =	swait.ge [sflag:s7], $0x800  }
0x53: {  	[sflag:s7] =	ssyncset.done $0x0  }
0x54: {  	[sflag:s7] =	ssyncadd.s32 $0xFFFFF800  }
0x55: {  	_ =	swait.ge [sflag:s7], $0x800  }
0x56: {  	[sflag:s7] =	ssyncset.done $0x0  }
0x57: {  	[sflag:s7] =	ssyncadd.s32 $0xFFFFF800  }
0x58: {  	_ =	swait.ge [sflag:s7], $0x800  }
0x59: {  	[sflag:s7] =	ssyncset.done $0x0  }
0x5a: {  	[sflag:s7] =	ssyncadd.s32 $0xFFFFF800  }
0x5b: {  	_ =	swait.ge [sflag:s7], $0x800  }
0x5c: {  	s19 =	rddreg [dreg:$0x16]  }
0x5d: {  	s20 =	rddreg [dreg:$0x1f]  }
0x5e: {  	s21 =	rddreg [dreg:$0x1b]  }
0x5f: {  	s22 =	rddreg [dreg:$0x12]  }
0x60: {  	s23 =	rddreg [dreg:$0x14]  }
0x61: {  	s24 =	rddreg [dreg:$0x17]  }
0x62: {  	s25 =	rddreg [dreg:$0x13]  }
0x63: {  	s15 =	rddreg [dreg:$0x19]  }
0x64: {  	[sflag:s7] =	ssyncset.done $0x0;
	s16 =	rddreg [dreg:$0x15]  }
0x65: {  	s17 =	rddreg [dreg:$0x18];
	[sflag:s7] =	ssyncadd.s32 $0xFFFFF800  }
0x66: {  	[tilespmem:s25], [sflag:$0x1] =	stream.indirect.gather [hbm4b:s5+s6], $0x10, s22, s6, $0xb8;
	[tilespmem:$0x11000] =	vst v63  }
0x67: {  	s26 =	rddreg [dreg:$0x1a]  }
0x68: {  	[tilespmem:s16], [sflag:$0x1] =	stream.indirect.gather [hbm4b:s5+s6], $0x10, s23, s6, $0xb8;
	[tilespmem:$0x11000] =	vst v63  }
0x69: {  	s0 =	rddreg [dreg:$0x1d]  }
0x6a: {  	[tilespmem:s24], [sflag:$0x1] =	stream.indirect.gather [hbm4b:s5+s6], $0x10, s19, s6, $0xb8;
	[tilespmem:$0x11000] =	vst v63  }
0x6b: {  	s13 =	rddreg [dreg:$0x1c]  }
0x6c: {  	[tilespmem:s15], [sflag:$0x1] =	stream.indirect.gather [hbm4b:s5+s6], $0x10, s17, s6, $0xb8;
	[tilespmem:$0x11000] =	vst v63  }
0x6d: {  	s14 =	rddreg [dreg:$0x1e]  }
0x6e: {  	[tilespmem:s21], [sflag:$0x1] =	stream.indirect.gather [hbm4b:s5+s6], $0x10, s26, s6, $0xb8;
	[tilespmem:$0x11000] =	vst v63  }
0x6f: {  	s16 =	sld [smem:$0x7F4]  }
0x70: {  	[tilespmem:s0], [sflag:$0x1] =	stream.indirect.gather [hbm4b:s5+s6], $0x10, s13, s6, $0xb8;
	[tilespmem:$0x11000] =	vst v63  }
0x71: {  	s15 =	sld [smem:$0x7F3]  }
0x72: {  	[tilespmem:s20], [sflag:$0x1] =	stream.indirect.gather [hbm4b:s5+s6], $0x10, s14, s6, $0xb8;
	[tilespmem:$0x11000] =	vst v63  }
0x73: {  	_ = 	snop  }
0x74: {  	[tilespmem:s15], [sflag:$0x1] =	stream.indirect.gather [hbm4b:s5+s6], $0x10, s16, s6, $0xb8;
	[tilespmem:$0x11000] =	vst v63  }
0x75: {  	_ =	swait.ge [sflag:s7], $0x800  }
0x76: {  	[sflag:s7] =	ssyncset.done $0x0  }
0x77: {  	[sflag:s7] =	ssyncadd.s32 $0xFFFFF800  }
0x78: {  	_ =	swait.ge [sflag:s7], $0x800  }
0x79: {  	[sflag:s7] =	ssyncset.done $0x0  }
0x7a: {  	[sflag:s7] =	ssyncadd.s32 $0xFFFFF800  }
0x7b: {  	_ =	swait.ge [sflag:s7], $0x800  }
0x7c: {  	[sflag:s7] =	ssyncset.done $0x0  }
0x7d: {  	[sflag:s7] =	ssyncadd.s32 $0xFFFFF800  }
0x7e: {  	_ =	swait.ge [sflag:s7], $0x800  }
0x7f: {  	[sflag:s7] =	ssyncset.done $0x0  }
0x80: {  	[sflag:s7] =	ssyncadd.s32 $0xFFFFF800  }
0x81: {  	_ =	swait.ge [sflag:s7], $0x800  }
0x82: {  	[sflag:s7] =	ssyncset.done $0x0  }
0x83: {  	[sflag:s7] =	ssyncadd.s32 $0xFFFFF800  }
0x84: {  	_ =	swait.ge [sflag:s7], $0x800  }
0x85: {  	[sflag:s7] =	ssyncset.done $0x0  }
0x86: {  	[sflag:s7] =	ssyncadd.s32 $0xFFFFF800  }
0x87: {  	_ =	swait.ge [sflag:s7], $0x800  }
0x88: {  	[sflag:s7] =	ssyncset.done $0x0  }
0x89: {  	[sflag:s7] =	ssyncadd.s32 $0xFFFFF800  }
0x8a: {  	_ =	swait.ge [sflag:s7], $0x800  }
0x8b: {  	s17 =	sld [smem:$0x7F5]  }
0x8c: {  	s18 =	sld [smem:$0x7F6]  }
0x8d: {  	s19 =	sld [smem:$0x7F7]  }
0x8e: {  	s20 =	sld [smem:$0x7F8]  }
0x8f: {  	[sflag:s7] =	ssyncset.done $0x0;
	s21 =	sld [smem:$0x7F9]  }
0x90: {  	s22 =	sld [smem:$0x7FA];
	[sflag:s7] =	ssyncadd.s32 $0xFFFFF800  }
0x91: {  	[tilespmem:s20], [sflag:$0x1] =	stream.indirect.gather [hbm4b:s5+s6], $0x10, s18, s6, $0xb8;
	[tilespmem:$0x11000] =	vst v63  }
0x92: {  	s23 =	sld [smem:$0x7FB]  }
0x93: {  	[tilespmem:s17], [sflag:$0x1] =	stream.indirect.gather [hbm4b:s5+s6], $0x10, s21, s6, $0xb8;
	[tilespmem:$0x11000] =	vst v63  }
0x94: {  	s24 =	sld [smem:$0x7FC]  }
0x95: {  	[tilespmem:s19], [sflag:$0x1] =	stream.indirect.gather [hbm4b:s5+s6], $0x10, s22, s6, $0xb8;
	[tilespmem:$0x11000] =	vst v63  }
0x96: {  	s25 =	sld [smem:$0x7FD]  }
0x97: {  	[tilespmem:s24], [sflag:$0x1] =	stream.indirect.gather [hbm4b:s5+s6], $0x10, s23, s6, $0xb8;
	[tilespmem:$0x11000] =	vst v63  }
0x98: {  	s26 =	simm.s32 $0xB000  }
0x99: {  	[tilespmem:s26], [sflag:$0x1] =	stream.indirect.gather [hbm4b:s5+s6], $0x10, s25, s6, $0xb8;
	[tilespmem:$0x11000] =	vst v63  }
0x9a: {  	s8 =	simm.s32 $0xA80;
	s9 =	simm.s32 $0xB800  }
0x9b: {  	[tilespmem:s9], [sflag:$0x1] =	stream.indirect.gather [hbm4b:s5+s6], $0x10, s8, s6, $0xb8;
	[tilespmem:$0x11000] =	vst v63  }
0x9c: {  	s11 =	simm.s32 $0xC000;
	s10 =	simm.s32 $0xB00  }
0x9d: {  	[tilespmem:s11], [sflag:$0x1] =	stream.indirect.gather [hbm4b:s5+s6], $0x10, s10, s6, $0xb8;
	[tilespmem:$0x11000] =	vst v63  }
0x9e: {  	s12 =	simm.s32 $0xB80;
	s13 =	simm.s32 $0xC800  }
0x9f: {  	[tilespmem:s13], [sflag:$0x1] =	stream.indirect.gather [hbm4b:s5+s6], $0x10, s12, s6, $0xb8;
	[tilespmem:$0x11000] =	vst v63  }
0xa0: {  	_ =	swait.ge [sflag:s7], $0x800  }
0xa1: {  	[sflag:s7] =	ssyncset.done $0x0  }
0xa2: {  	[sflag:s7] =	ssyncadd.s32 $0xFFFFF800  }
0xa3: {  	_ =	swait.ge [sflag:s7], $0x800  }
0xa4: {  	[sflag:s7] =	ssyncset.done $0x0  }
0xa5: {  	[sflag:s7] =	ssyncadd.s32 $0xFFFFF800  }
0xa6: {  	_ =	swait.ge [sflag:s7], $0x800  }
0xa7: {  	[sflag:s7] =	ssyncset.done $0x0  }
0xa8: {  	[sflag:s7] =	ssyncadd.s32 $0xFFFFF800  }
0xa9: {  	_ =	swait.ge [sflag:s7], $0x800  }
0xaa: {  	[sflag:s7] =	ssyncset.done $0x0  }
0xab: {  	[sflag:s7] =	ssyncadd.s32 $0xFFFFF800  }
0xac: {  	_ =	swait.ge [sflag:s7], $0x800  }
0xad: {  	[sflag:s7] =	ssyncset.done $0x0  }
0xae: {  	[sflag:s7] =	ssyncadd.s32 $0xFFFFF800  }
0xaf: {  	_ =	swait.ge [sflag:s7], $0x800  }
0xb0: {  	[sflag:s7] =	ssyncset.done $0x0  }
0xb1: {  	[sflag:s7] =	ssyncadd.s32 $0xFFFFF800  }
0xb2: {  	_ =	swait.ge [sflag:s7], $0x800  }
0xb3: {  	[sflag:s7] =	ssyncset.done $0x0  }
0xb4: {  	[sflag:s7] =	ssyncadd.s32 $0xFFFFF800  }
0xb5: {  	_ =	swait.ge [sflag:s7], $0x800  }
0xb6: {  	[sflag:s7] =	ssyncset.done $0x0  }
0xb7: {  	s14 =	simm.s32 $0xC00;
	s15 =	simm.s32 $0xD000;
	[sflag:s7] =	ssyncadd.s32 $0xFFFFF800  }
0xb8: {  	[tilespmem:s15], [sflag:$0x1] =	stream.indirect.gather [hbm4b:s5+s6], $0x10, s14, s6, $0xb8;
	[tilespmem:$0x11000] =	vst v63  }
0xb9: {  	s18 =	simm.s32 $0xD800;
	s17 =	simm.s32 $0xC80  }
0xba: {  	[tilespmem:s18], [sflag:$0x1] =	stream.indirect.gather [hbm4b:s5+s6], $0x10, s17, s6, $0xb8;
	[tilespmem:$0x11000] =	vst v63  }
0xbb: {  	s20 =	simm.s32 $0xE000;
	s19 =	simm.s32 $0xD00  }
0xbc: {  	[tilespmem:s20], [sflag:$0x1] =	stream.indirect.gather [hbm4b:s5+s6], $0x10, s19, s6, $0xb8;
	[tilespmem:$0x11000] =	vst v63  }
0xbd: {  	s21 =	simm.s32 $0xD80;
	s22 =	simm.s32 $0xE800  }
0xbe: {  	[tilespmem:s22], [sflag:$0x1] =	stream.indirect.gather [hbm4b:s5+s6], $0x10, s21, s6, $0xb8;
	[tilespmem:$0x11000] =	vst v63  }
0xbf: {  	s23 =	simm.s32 $0xE00;
	s24 =	simm.s32 $0xF000  }
0xc0: {  	[tilespmem:s24], [sflag:$0x1] =	stream.indirect.gather [hbm4b:s5+s6], $0x10, s23, s6, $0xb8;
	[tilespmem:$0x11000] =	vst v63  }
0xc1: {  	s25 =	simm.s32 $0xE80;
	s26 =	simm.s32 $0xF800  }
0xc2: {  	[tilespmem:s26], [sflag:$0x1] =	stream.indirect.gather [hbm4b:s5+s6], $0x10, s25, s6, $0xb8;
	[tilespmem:$0x11000] =	vst v63  }
0xc3: {  	s28 =	simm.s32 $0xF00;
	s29 =	simm.s32 $0x10000  }
0xc4: {  	[tilespmem:s29], [sflag:$0x1] =	stream.indirect.gather [hbm4b:s5+s6], $0x10, s28, s6, $0xb8;
	[tilespmem:$0x11000] =	vst v63  }
0xc5: {  	s30 =	simm.s32 $0xF80;
	s31 =	simm.s32 $0x10800  }
0xc6: {  	[tilespmem:s31], [sflag:$0x1] =	stream.indirect.gather [hbm4b:s5+s6], $0x10, s30, s6, $0xb8;
	[tilespmem:$0x11000] =	vst v63  }
0xc7: {  	_ =	swait.ge [sflag:s7], $0x800  }
0xc8: {  	[sflag:s7] =	ssyncset.done $0x0  }
0xc9: {  	s1 =	ssub.s32 $0x2, s1;
	[sflag:s7] =	ssyncadd.s32 $0xFFFFF800  }
0xca: {  	s16 =	sshrl.u32 s1, $0x1;
	_ =	swait.ge [sflag:s7], $0x800  }
0xcb: {  	s0 =	ssub.s32 s1, s16;
	[sflag:s7] =	ssyncset.done $0x0  }
0xcc: {  	s0 =	smax.u32 s0, $0x1;
	[sflag:s7] =	ssyncadd.s32 $0xFFFFF800  }
0xcd: {  	p0 =	sne.s32 s0, $0x1;
	_ =	swait.ge [sflag:s7], $0x800  }
.Ltmp0:
0xce: {  	[sflag:s7] =	ssyncset.done $0x0;
	(pc) =	sbr.rel @!p0 .LBB2_2-.Ltmp0, $4  }
0xcf: {  	[sflag:s7] =	ssyncadd.s32 $0xFFFFF800  }
0xd0: {  	_ =	swait.ge [sflag:s7], $0x800  }
0xd1: {  	[sflag:s7] =	ssyncset.done $0x0  }
0xd2: {  	s1 =	sadd.s32 $0xFFFFFFFF, s0;
	[sflag:s7] =	ssyncadd.s32 $0xFFFFF800  }
.LBB2_1:
0xd3: {  	_ =	swait.ge [sflag:s7], $0x800  }
0xd4: {  	[sflag:s7] =	ssyncset.done $0x0  }
0xd5: {  	[sflag:s7] =	ssyncadd.s32 $0xFFFFF800  }
0xd6: {  	_ =	swait.ge [sflag:s7], $0x800  }
0xd7: {  	[sflag:s7] =	ssyncset.done $0x0  }
0xd8: {  	[sflag:s7] =	ssyncadd.s32 $0xFFFFF800  }
0xd9: {  	_ =	swait.ge [sflag:s7], $0x800  }
0xda: {  	[sflag:s7] =	ssyncset.done $0x0  }
0xdb: {  	[sflag:s7] =	ssyncadd.s32 $0xFFFFF800  }
0xdc: {  	_ =	swait.ge [sflag:s7], $0x800  }
0xdd: {  	[sflag:s7] =	ssyncset.done $0x0  }
0xde: {  	s0 =	rddreg [dreg:$0x4];
	[sflag:s7] =	ssyncadd.s32 $0xFFFFF800  }
0xdf: {  	[hbm4b:s0+s2] =	stream.linear.scatter [tilespmem:s4], [sflag:$0x2], $0x10000, $0x38;
	[tilespmem:$0x11000] =	vst v63  }
0xe0: {  	_ =	swait.ge [sflag:s3], $0x10000  }
0xe1: {  	[sflag:s3] =	ssyncset.done $0x0  }
0xe2: {  	s15 =	rddreg [dreg:$0x3];
	[sflag:s3] =	ssyncadd.s32 $0xFFFF0000  }
0xe3: {  	[tilespmem:s2], [sflag:$0x2] =	stream.linear.gather [hbm4b:s15+s2], $0x1000, $0x38;
	[tilespmem:$0x11000] =	vst v63  }
0xe4: {  	_ =	swait.ge [sflag:s3], $0x1000  }
0xe5: {  	s16 =	rddreg [dreg:$0x8]  }
0xe6: {  	s8 =	rddreg [dreg:$0xb]  }
0xe7: {  	s9 =	rddreg [dreg:$0xd]  }
0xe8: {  	s10 =	rddreg [dreg:$0x6]  }
0xe9: {  	[sflag:s3] =	ssyncset.done $0x0;
	s11 =	rddreg [dreg:$0x5]  }
0xea: {  	s12 =	rddreg [dreg:$0x7];
	[sflag:s3] =	ssyncadd.s32 $0xFFFFF000  }
0xeb: {  	[tilespmem:s4], [sflag:$0x1] =	stream.indirect.gather [hbm4b:s5+s6], $0x10, s2, s6, $0xb8;
	[tilespmem:$0x11000] =	vst v63  }
0xec: {  	s13 =	rddreg [dreg:$0x9]  }
0xed: {  	[tilespmem:s11], [sflag:$0x1] =	stream.indirect.gather [hbm4b:s5+s6], $0x10, s6, s6, $0xb8;
	[tilespmem:$0x11000] =	vst v63  }
0xee: {  	s14 =	rddreg [dreg:$0xa]  }
0xef: {  	[tilespmem:s12], [sflag:$0x1] =	stream.indirect.gather [hbm4b:s5+s6], $0x10, s10, s6, $0xb8;
	[tilespmem:$0x11000] =	vst v63  }
0xf0: {  	s15 =	rddreg [dreg:$0xe]  }
0xf1: {  	[tilespmem:s13], [sflag:$0x1] =	stream.indirect.gather [hbm4b:s5+s6], $0x10, s16, s6, $0xb8;
	[tilespmem:$0x11000] =	vst v63  }
0xf2: {  	s11 =	rddreg [dreg:$0xc]  }
0xf3: {  	[tilespmem:s8], [sflag:$0x1] =	stream.indirect.gather [hbm4b:s5+s6], $0x10, s14, s6, $0xb8;
	[tilespmem:$0x11000] =	vst v63  }
0xf4: {  	s10 =	rddreg [dreg:$0xf]  }
0xf5: {  	[tilespmem:s9], [sflag:$0x1] =	stream.indirect.gather [hbm4b:s5+s6], $0x10, s11, s6, $0xb8;
	[tilespmem:$0x11000] =	vst v63  }
0xf6: {  	s12 =	rddreg [dreg:$0x11]  }
0xf7: {  	[tilespmem:s10], [sflag:$0x1] =	stream.indirect.gather [hbm4b:s5+s6], $0x10, s15, s6, $0xb8;
	[tilespmem:$0x11000] =	vst v63  }
0xf8: {  	s16 =	rddreg [dreg:$0x10]  }
0xf9: {  	[tilespmem:s12], [sflag:$0x1] =	stream.indirect.gather [hbm4b:s5+s6], $0x10, s16, s6, $0xb8;
	[tilespmem:$0x11000] =	vst v63  }
0xfa: {  	_ =	swait.ge [sflag:s7], $0x800  }
0xfb: {  	[sflag:s7] =	ssyncset.done $0x0  }
0xfc: {  	[sflag:s7] =	ssyncadd.s32 $0xFFFFF800  }
0xfd: {  	_ =	swait.ge [sflag:s7], $0x800  }
0xfe: {  	[sflag:s7] =	ssyncset.done $0x0  }
0xff: {  	[sflag:s7] =	ssyncadd.s32 $0xFFFFF800  }
0x100: {  	_ =	swait.ge [sflag:s7], $0x800  }
0x101: {  	[sflag:s7] =	ssyncset.done $0x0  }
0x102: {  	[sflag:s7] =	ssyncadd.s32 $0xFFFFF800  }
0x103: {  	_ =	swait.ge [sflag:s7], $0x800  }
0x104: {  	[sflag:s7] =	ssyncset.done $0x0  }
0x105: {  	[sflag:s7] =	ssyncadd.s32 $0xFFFFF800  }
0x106: {  	_ =	swait.ge [sflag:s7], $0x800  }
0x107: {  	[sflag:s7] =	ssyncset.done $0x0  }
0x108: {  	[sflag:s7] =	ssyncadd.s32 $0xFFFFF800  }
0x109: {  	_ =	swait.ge [sflag:s7], $0x800  }
0x10a: {  	[sflag:s7] =	ssyncset.done $0x0  }
0x10b: {  	[sflag:s7] =	ssyncadd.s32 $0xFFFFF800  }
0x10c: {  	_ =	swait.ge [sflag:s7], $0x800  }
0x10d: {  	[sflag:s7] =	ssyncset.done $0x0  }
0x10e: {  	[sflag:s7] =	ssyncadd.s32 $0xFFFFF800  }
0x10f: {  	_ =	swait.ge [sflag:s7], $0x800  }
0x110: {  	s0 =	rddreg [dreg:$0x16]  }
0x111: {  	s8 =	rddreg [dreg:$0x1f]  }
0x112: {  	s9 =	rddreg [dreg:$0x1b]  }
0x113: {  	s10 =	rddreg [dreg:$0x12]  }
0x114: {  	s11 =	rddreg [dreg:$0x14]  }
0x115: {  	s12 =	rddreg [dreg:$0x17]  }
0x116: {  	s13 =	rddreg [dreg:$0x13]  }
0x117: {  	s14 =	rddreg [dreg:$0x19]  }
0x118: {  	[sflag:s7] =	ssyncset.done $0x0;
	s15 =	rddreg [dreg:$0x15]  }
0x119: {  	s16 =	rddreg [dreg:$0x18];
	[sflag:s7] =	ssyncadd.s32 $0xFFFFF800  }
0x11a: {  	[tilespmem:s13], [sflag:$0x1] =	stream.indirect.gather [hbm4b:s5+s6], $0x10, s10, s6, $0xb8;
	[tilespmem:$0x11000] =	vst v63  }
0x11b: {  	s10 =	rddreg [dreg:$0x1a]  }
0x11c: {  	[tilespmem:s15], [sflag:$0x1] =	stream.indirect.gather [hbm4b:s5+s6], $0x10, s11, s6, $0xb8;
	[tilespmem:$0x11000] =	vst v63  }
0x11d: {  	s13 =	rddreg [dreg:$0x1c]  }
0x11e: {  	[tilespmem:s12], [sflag:$0x1] =	stream.indirect.gather [hbm4b:s5+s6], $0x10, s0, s6, $0xb8;
	[tilespmem:$0x11000] =	vst v63  }
0x11f: {  	s11 =	rddreg [dreg:$0x1d]  }
0x120: {  	[tilespmem:s14], [sflag:$0x1] =	stream.indirect.gather [hbm4b:s5+s6], $0x10, s16, s6, $0xb8;
	[tilespmem:$0x11000] =	vst v63  }
0x121: {  	s15 =	sld [smem:$0x7F3]  }
0x122: {  	[tilespmem:s9], [sflag:$0x1] =	stream.indirect.gather [hbm4b:s5+s6], $0x10, s10, s6, $0xb8;
	[tilespmem:$0x11000] =	vst v63  }
0x123: {  	s14 =	rddreg [dreg:$0x1e]  }
0x124: {  	[tilespmem:s11], [sflag:$0x1] =	stream.indirect.gather [hbm4b:s5+s6], $0x10, s13, s6, $0xb8;
	[tilespmem:$0x11000] =	vst v63  }
0x125: {  	s16 =	sld [smem:$0x7F4]  }
0x126: {  	[tilespmem:s8], [sflag:$0x1] =	stream.indirect.gather [hbm4b:s5+s6], $0x10, s14, s6, $0xb8;
	[tilespmem:$0x11000] =	vst v63  }
0x127: {  	_ = 	snop  }
0x128: {  	[tilespmem:s15], [sflag:$0x1] =	stream.indirect.gather [hbm4b:s5+s6], $0x10, s16, s6, $0xb8;
	[tilespmem:$0x11000] =	vst v63  }
0x129: {  	_ =	swait.ge [sflag:s7], $0x800  }
0x12a: {  	[sflag:s7] =	ssyncset.done $0x0  }
0x12b: {  	[sflag:s7] =	ssyncadd.s32 $0xFFFFF800  }
0x12c: {  	_ =	swait.ge [sflag:s7], $0x800  }
0x12d: {  	[sflag:s7] =	ssyncset.done $0x0  }
0x12e: {  	[sflag:s7] =	ssyncadd.s32 $0xFFFFF800  }
0x12f: {  	_ =	swait.ge [sflag:s7], $0x800  }
0x130: {  	[sflag:s7] =	ssyncset.done $0x0  }
0x131: {  	[sflag:s7] =	ssyncadd.s32 $0xFFFFF800  }
0x132: {  	_ =	swait.ge [sflag:s7], $0x800  }
0x133: {  	[sflag:s7] =	ssyncset.done $0x0  }
0x134: {  	[sflag:s7] =	ssyncadd.s32 $0xFFFFF800  }
0x135: {  	_ =	swait.ge [sflag:s7], $0x800  }
0x136: {  	[sflag:s7] =	ssyncset.done $0x0  }
0x137: {  	[sflag:s7] =	ssyncadd.s32 $0xFFFFF800  }
0x138: {  	_ =	swait.ge [sflag:s7], $0x800  }
0x139: {  	[sflag:s7] =	ssyncset.done $0x0  }
0x13a: {  	[sflag:s7] =	ssyncadd.s32 $0xFFFFF800  }
0x13b: {  	_ =	swait.ge [sflag:s7], $0x800  }
0x13c: {  	[sflag:s7] =	ssyncset.done $0x0  }
0x13d: {  	[sflag:s7] =	ssyncadd.s32 $0xFFFFF800  }
0x13e: {  	_ =	swait.ge [sflag:s7], $0x800  }
0x13f: {  	s9 =	sld [smem:$0x7F5]  }
0x140: {  	s15 =	sld [smem:$0x7F6]  }
0x141: {  	s16 =	sld [smem:$0x7F7]  }
0x142: {  	s11 =	sld [smem:$0x7F8]  }
0x143: {  	[sflag:s7] =	ssyncset.done $0x0;
	s12 =	sld [smem:$0x7F9]  }
0x144: {  	s13 =	sld [smem:$0x7FA];
	[sflag:s7] =	ssyncadd.s32 $0xFFFFF800  }
0x145: {  	[tilespmem:s11], [sflag:$0x1] =	stream.indirect.gather [hbm4b:s5+s6], $0x10, s15, s6, $0xb8;
	[tilespmem:$0x11000] =	vst v63  }
0x146: {  	s14 =	sld [smem:$0x7FB]  }
0x147: {  	[tilespmem:s9], [sflag:$0x1] =	stream.indirect.gather [hbm4b:s5+s6], $0x10, s12, s6, $0xb8;
	[tilespmem:$0x11000] =	vst v63  }
0x148: {  	s15 =	sld [smem:$0x7FC]  }
0x149: {  	[tilespmem:s16], [sflag:$0x1] =	stream.indirect.gather [hbm4b:s5+s6], $0x10, s13, s6, $0xb8;
	[tilespmem:$0x11000] =	vst v63  }
0x14a: {  	s16 =	sld [smem:$0x7FD]  }
0x14b: {  	[tilespmem:s15], [sflag:$0x1] =	stream.indirect.gather [hbm4b:s5+s6], $0x10, s14, s6, $0xb8;
	[tilespmem:$0x11000] =	vst v63  }
0x14c: {  	s8 =	simm.s32 $0xB000  }
0x14d: {  	[tilespmem:s8], [sflag:$0x1] =	stream.indirect.gather [hbm4b:s5+s6], $0x10, s16, s6, $0xb8;
	[tilespmem:$0x11000] =	vst v63  }
0x14e: {  	s10 =	simm.s32 $0xB800;
	s9 =	simm.s32 $0xA80  }
0x14f: {  	[tilespmem:s10], [sflag:$0x1] =	stream.indirect.gather [hbm4b:s5+s6], $0x10, s9, s6, $0xb8;
	[tilespmem:$0x11000] =	vst v63  }
0x150: {  	s11 =	simm.s32 $0xB00;
	s12 =	simm.s32 $0xC000  }
0x151: {  	[tilespmem:s12], [sflag:$0x1] =	stream.indirect.gather [hbm4b:s5+s6], $0x10, s11, s6, $0xb8;
	[tilespmem:$0x11000] =	vst v63  }
0x152: {  	s13 =	simm.s32 $0xB80;
	s14 =	simm.s32 $0xC800  }
0x153: {  	[tilespmem:s14], [sflag:$0x1] =	stream.indirect.gather [hbm4b:s5+s6], $0x10, s13, s6, $0xb8;
	[tilespmem:$0x11000] =	vst v63  }
0x154: {  	_ =	swait.ge [sflag:s7], $0x800  }
0x155: {  	[sflag:s7] =	ssyncset.done $0x0  }
0x156: {  	[sflag:s7] =	ssyncadd.s32 $0xFFFFF800  }
0x157: {  	_ =	swait.ge [sflag:s7], $0x800  }
0x158: {  	[sflag:s7] =	ssyncset.done $0x0  }
0x159: {  	[sflag:s7] =	ssyncadd.s32 $0xFFFFF800  }
0x15a: {  	_ =	swait.ge [sflag:s7], $0x800  }
0x15b: {  	[sflag:s7] =	ssyncset.done $0x0  }
0x15c: {  	[sflag:s7] =	ssyncadd.s32 $0xFFFFF800  }
0x15d: {  	_ =	swait.ge [sflag:s7], $0x800  }
0x15e: {  	[sflag:s7] =	ssyncset.done $0x0  }
0x15f: {  	[sflag:s7] =	ssyncadd.s32 $0xFFFFF800  }
0x160: {  	_ =	swait.ge [sflag:s7], $0x800  }
0x161: {  	[sflag:s7] =	ssyncset.done $0x0  }
0x162: {  	[sflag:s7] =	ssyncadd.s32 $0xFFFFF800  }
0x163: {  	_ =	swait.ge [sflag:s7], $0x800  }
0x164: {  	[sflag:s7] =	ssyncset.done $0x0  }
0x165: {  	[sflag:s7] =	ssyncadd.s32 $0xFFFFF800  }
0x166: {  	_ =	swait.ge [sflag:s7], $0x800  }
0x167: {  	[sflag:s7] =	ssyncset.done $0x0  }
0x168: {  	[sflag:s7] =	ssyncadd.s32 $0xFFFFF800  }
0x169: {  	_ =	swait.ge [sflag:s7], $0x800  }
0x16a: {  	[sflag:s7] =	ssyncset.done $0x0  }
0x16b: {  	s15 =	simm.s32 $0xC00;
	s16 =	simm.s32 $0xD000;
	[sflag:s7] =	ssyncadd.s32 $0xFFFFF800  }
0x16c: {  	[tilespmem:s16], [sflag:$0x1] =	stream.indirect.gather [hbm4b:s5+s6], $0x10, s15, s6, $0xb8;
	[tilespmem:$0x11000] =	vst v63  }
0x16d: {  	_ = 	snop  }
0x16e: {  	[tilespmem:s18], [sflag:$0x1] =	stream.indirect.gather [hbm4b:s5+s6], $0x10, s17, s6, $0xb8;
	[tilespmem:$0x11000] =	vst v63  }
0x16f: {  	_ = 	snop  }
0x170: {  	[tilespmem:s20], [sflag:$0x1] =	stream.indirect.gather [hbm4b:s5+s6], $0x10, s19, s6, $0xb8;
	[tilespmem:$0x11000] =	vst v63  }
0x171: {  	_ = 	snop  }
0x172: {  	[tilespmem:s22], [sflag:$0x1] =	stream.indirect.gather [hbm4b:s5+s6], $0x10, s21, s6, $0xb8;
	[tilespmem:$0x11000] =	vst v63  }
0x173: {  	_ = 	snop  }
0x174: {  	[tilespmem:s24], [sflag:$0x1] =	stream.indirect.gather [hbm4b:s5+s6], $0x10, s23, s6, $0xb8;
	[tilespmem:$0x11000] =	vst v63  }
0x175: {  	_ = 	snop  }
0x176: {  	[tilespmem:s26], [sflag:$0x1] =	stream.indirect.gather [hbm4b:s5+s6], $0x10, s25, s6, $0xb8;
	[tilespmem:$0x11000] =	vst v63  }
0x177: {  	_ = 	snop  }
0x178: {  	[tilespmem:s29], [sflag:$0x1] =	stream.indirect.gather [hbm4b:s5+s6], $0x10, s28, s6, $0xb8;
	[tilespmem:$0x11000] =	vst v63  }
0x179: {  	_ = 	snop  }
0x17a: {  	[tilespmem:s31], [sflag:$0x1] =	stream.indirect.gather [hbm4b:s5+s6], $0x10, s30, s6, $0xb8;
	[tilespmem:$0x11000] =	vst v63  }
0x17b: {  	_ =	swait.ge [sflag:s7], $0x800  }
0x17c: {  	[sflag:s7] =	ssyncset.done $0x0  }
0x17d: {  	[sflag:s7] =	ssyncadd.s32 $0xFFFFF800  }
0x17e: {  	_ =	swait.ge [sflag:s7], $0x800  }
0x17f: {  	[sflag:s7] =	ssyncset.done $0x0  }
0x180: {  	[sflag:s7] =	ssyncadd.s32 $0xFFFFF800  }
0x181: {  	p0 =	sne.s32 s1, $0x1;
	_ =	swait.ge [sflag:s7], $0x800  }
.Ltmp1:
0x182: {  	[sflag:s7] =	ssyncset.done $0x0;
	(pc) =	sbr.rel @p0 .LBB2_1-.Ltmp1, $4  }
0x183: {  	[sflag:s7] =	ssyncadd.s32 $0xFFFFF800  }
0x184: {  	_ =	swait.ge [sflag:s7], $0x800  }
0x185: {  	[sflag:s7] =	ssyncset.done $0x0  }
0x186: {  	s1 =	sadd.s32 $0xFFFFFFFF, s1;
	[sflag:s7] =	ssyncadd.s32 $0xFFFFF800  }
.LBB2_2:
0x187: {  	_ =	swait.ge [sflag:s7], $0x800  }
0x188: {  	[sflag:s7] =	ssyncset.done $0x0  }
0x189: {  	[sflag:s7] =	ssyncadd.s32 $0xFFFFF800  }
0x18a: {  	_ =	swait.ge [sflag:s7], $0x800  }
0x18b: {  	[sflag:s7] =	ssyncset.done $0x0  }
0x18c: {  	[sflag:s7] =	ssyncadd.s32 $0xFFFFF800  }
0x18d: {  	_ =	swait.ge [sflag:s7], $0x800  }
0x18e: {  	[sflag:s7] =	ssyncset.done $0x0  }
0x18f: {  	[sflag:s7] =	ssyncadd.s32 $0xFFFFF800  }
0x190: {  	_ =	swait.ge [sflag:s7], $0x800  }
0x191: {  	[sflag:s7] =	ssyncset.done $0x0  }
0x192: {  	s0 =	rddreg [dreg:$0x4];
	[sflag:s7] =	ssyncadd.s32 $0xFFFFF800  }
0x193: {  	[hbm4b:s0+s2] =	stream.linear.scatter [tilespmem:s4], [sflag:$0x2], $0x10000, $0x38;
	[tilespmem:$0x11000] =	vst v63  }
0x194: {  	_ =	swait.ge [sflag:s3], $0x10000  }
0x195: {  	[sflag:s3] =	ssyncset.done $0x0  }
0x196: {  	[sflag:s3] =	ssyncadd.s32 $0xFFFF0000  }
0x197: {  	_ =	sfence.sel $0x180000  }
0x198: {  	[bflag:$0x0] =	sbarrier.arrive $0xFFFF  }
0x199: {  	_ =	strace $0x90000047  }
0x19a: {  	s31 =	stileid.u32;
	[bflag:$0x2] =	sbarrier.arrive $0xFFFF  }
0x19b: {  	p0 =	sne.s32 s31, $0x0;
	s0 =	rddreg [dreg:$0x2]  }
0x19c: {  	s0 =	sadd.s32 @!p0 $0x100000, s0  }
0x19d: {  	[sflag:s0] =	ssyncadd.tile.s32 @!p0 $0x1;
	_ =	shalt  }
.Lfunc_end2:
_tile_overlayer_lowered:
.L_overlay_start_2:
0x19e: {  	(tag) =	ssettag $0x2  }
0x19f: {  	s0 =	rddreg [dreg:$0x0];
	s2 =	stileid.u32  }
0x1a0: {  	s1 =	rddreg [dreg:$0x1];
	p0 =	sne.s32 s2, $0x0  }
0x1a1: {  	s3 =	rddreg [dreg:$0x2];
	[bflag:$0x3] =	sbarrier.arrive $0xFFFF;
	s2 =	simm.s32 @!p0 $0x1C02  }
0x1a2: {  	[timem:s3], [sflag:s2] =	dma.local @!p0 [hbm:s0], s1  }
0x1a3: {  	s0 =	simm.s32 @!p0 $0x2  }
0x1a4: {  	_ =	swait.ge @!p0 [sflag:s0], s1  }
0x1a5: {  	s1 =	ssub.s32 @!p0 $0x0, s1;
	[sflag:s0] =	ssyncset.done @!p0 $0x0  }
0x1a6: {  	[sflag:s0] =	ssyncadd.s32 @!p0 s1  }
0x1a7: {  	[bflag:$0x3] =	sbarrier.arrive $0xFFFF  }
0x1a8: {  	_ =	shalt  }

</sc_bundles>
